<compile_context>
chip_gen: v7x
topology: tpu7x:2x2x1
jax: 0.10.2.dev20260603
libtpu: 0.0.44.dev20260713+nightly
codegen_flags: <defaults>
</compile_context>

<pallas_src>
import functools

import jax
import jax.numpy as jnp
from jax import lax
from jax.experimental import pallas as pl
from jax.experimental.pallas import tpu as pltpu
from jax.experimental.pallas import tpu_sc as plsc

_NUM_SEG = 10000
_N_ROWS = 320000
_D = 128
_NC = 2
_NS = 16
_NW = _NC * _NS
_CHUNK = 128
_N_MAIN = 78
_MAIN_ROWS = _NW * _N_MAIN * _CHUNK
_N_TAIL = (_N_ROWS - _MAIN_ROWS) // _CHUNK
_SEG_PER_TILE = _NUM_SEG // _NS
_NBUF = 3


def _sc_segment_sum(x, ids):
    mesh = plsc.VectorSubcoreMesh(core_axis_name="c", subcore_axis_name="s")
    zeros = jnp.zeros((_SEG_PER_TILE, _D), jnp.float32)
    ids_main = ids[:_MAIN_ROWS].reshape(_NW, _N_MAIN, _CHUNK)
    ids_tail = jnp.concatenate(
        [ids[_MAIN_ROWS:].reshape(_N_TAIL, _CHUNK),
         jnp.zeros((_NW - _N_TAIL, _CHUNK), jnp.int32)], axis=0)
    ids3d = jnp.concatenate([ids_main, ids_tail[:, None, :]],
                            axis=1).reshape(_NW, _N_MAIN + 1, 1, _CHUNK)

    @functools.partial(
        pl.kernel,
        out_type=jax.ShapeDtypeStruct((_NC, _NS, _SEG_PER_TILE, _D), jnp.float32),
        mesh=mesh,
        scratch_types=[
            pltpu.VMEM((_NBUF, _CHUNK, _D), jnp.float32),
            pltpu.VMEM((_NBUF, 1, _CHUNK), jnp.int32),
            pltpu.VMEM_SHARED((_NUM_SEG, _D), jnp.float32),
        ] + [pltpu.SemaphoreType.DMA] * (3 * _NBUF),
    )
    def seg_sum(x_hbm, ids_hbm, zero_hbm, out_hbm, bufs, idx_v, acc_sh,
                *sems):
        c = lax.axis_index("c")
        s = lax.axis_index("s")
        wid = c * _NS + s
        lsems = sems[:_NBUF]
        isems = sems[_NBUF:2 * _NBUF]
        ssems = sems[2 * _NBUF:]
        pltpu.sync_copy(zero_hbm, acc_sh.at[pl.ds(s * _SEG_PER_TILE, _SEG_PER_TILE)])
        plsc.subcore_barrier()

        base_row = wid * _N_MAIN * _CHUNK

        def row0(i):
            if isinstance(i, int) and i < _N_MAIN:
                return base_row + i * _CHUNK
            r = jnp.where(i < _N_MAIN, base_row + i * _CHUNK,
                          _MAIN_ROWS + wid * _CHUNK)
            return pl.multiple_of(r, _CHUNK)

        def start_load(i, b):
            pltpu.async_copy(
                x_hbm.at[pl.ds(row0(i), _CHUNK)],
                bufs.at[b], lsems[b])
            pltpu.async_copy(ids_hbm.at[wid, i], idx_v.at[b], isems[b])

        def wait_load(i, b):
            pltpu.make_async_copy(
                x_hbm.at[pl.ds(row0(i), _CHUNK)],
                bufs.at[b], lsems[b]).wait()
            pltpu.make_async_copy(ids_hbm.at[wid, i], idx_v.at[b],
                                  isems[b]).wait()

        def start_scatter(i, b):
            pltpu.async_copy(bufs.at[b], acc_sh.at[idx_v.at[b, 0]],
                             ssems[b], add=True)

        def wait_scatter(i, b):
            pltpu.make_async_copy(bufs.at[b], acc_sh.at[idx_v.at[b, 0]],
                                  ssems[b]).wait()

        for b in range(_NBUF - 1):
            start_load(b, b)

        def chunk_step(i, b):
            pb = (b + _NBUF - 1) % _NBUF
            wait_load(i, b)
            start_scatter(i, b)
            @pl.when(i >= 1)
            def _():
                wait_scatter(i - 1, pb)

            @pl.when(i + _NBUF - 1 < _N_MAIN)
            def _():
                start_load(i + _NBUF - 1, pb)

        def body(j, carry):
            for b in range(_NBUF):
                chunk_step(_NBUF * j + b, b)
            return carry

        lax.fori_loop(0, _N_MAIN // _NBUF, body, 0)
        wait_scatter(_N_MAIN - 1, (_N_MAIN - 1) % _NBUF)

        @pl.when(wid < _N_TAIL)
        def _():
            pltpu.sync_copy(x_hbm.at[pl.ds(row0(_N_MAIN), _CHUNK)],
                            bufs.at[0])
            pltpu.sync_copy(ids_hbm.at[wid, _N_MAIN], idx_v.at[0])
            pltpu.sync_copy(bufs.at[0], acc_sh.at[idx_v.at[0, 0]], add=True)

        plsc.subcore_barrier()
        pltpu.sync_copy(
            acc_sh.at[pl.ds(s * _SEG_PER_TILE, _SEG_PER_TILE)],
            out_hbm.at[c, s])

    return seg_sum(x, ids3d, zeros).reshape(_NC, _NUM_SEG, _D)


def _heads_body(p_ref, w1a_ref, b1a_ref, w2a_ref, b2a_ref,
                w1c_ref, b1c_ref, w2c_ref, b2c_ref, lp_ref, v_ref):
    emb = p_ref[0] + p_ref[1]
    ha = jnp.tanh(
        jnp.dot(emb, w1a_ref[...], preferred_element_type=jnp.float32)
        + b1a_ref[...])
    logits = (jnp.dot(ha, w2a_ref[...], preferred_element_type=jnp.float32)
              + b2a_ref[...])
    m = jnp.max(logits, axis=-1, keepdims=True)
    lse = jnp.log(jnp.sum(jnp.exp(logits - m), axis=-1, keepdims=True)) + m
    lp_ref[...] = logits - lse
    hc = jnp.tanh(
        jnp.dot(emb, w1c_ref[...], preferred_element_type=jnp.float32)
        + b1c_ref[...])
    v_ref[...] = (jnp.dot(hc, w2c_ref[...], preferred_element_type=jnp.float32)
                  + b2c_ref[...])


def _tc_heads(partial, W1a, b1a, W2a, b2a, W1c, b1c, W2c, b2c):
    blk = 1000
    grid = _NUM_SEG // blk
    full = lambda shape: pl.BlockSpec(shape, lambda i: tuple(0 for _ in shape))
    return pl.pallas_call(
        _heads_body,
        grid=(grid,),
        in_specs=[
            pl.BlockSpec((_NC, blk, _D), lambda i: (0, i, 0)),
            full((_D, 64)), full((1, 64)),
            full((64, 7)), full((1, 7)),
            full((_D, 64)), full((1, 64)),
            full((64, 1)), full((1, 1)),
        ],
        out_specs=[
            pl.BlockSpec((blk, 7), lambda i: (i, 0)),
            pl.BlockSpec((blk, 1), lambda i: (i, 0)),
        ],
        out_shape=[
            jax.ShapeDtypeStruct((_NUM_SEG, 7), jnp.float32),
            jax.ShapeDtypeStruct((_NUM_SEG, 1), jnp.float32),
        ],
    )(partial, W1a, b1a.reshape(1, 64), W2a, b2a.reshape(1, 7),
      W1c, b1c.reshape(1, 64), W2c, b2c.reshape(1, 1))


@jax.jit
def kernel(x, m_batch, W1a, b1a, W2a, b2a, W1c, b1c, W2c, b2c):
    ids = m_batch.astype(jnp.int32)
    partial = _sc_segment_sum(x, ids)
    lp, v = _tc_heads(partial, W1a, b1a, W2a, b2a, W1c, b1c, W2c, b2c)
    return (lp, v)

# --- scband reference (transcript-rebuilt; emitter-appended) ---
"""Pipeline reference for scband-acmodel-gnn-36679020708300 (READ-ONLY COPY).

The authoritative reference and input builder live on the scoring server;
editing this copy changes nothing except your own understanding.
"""

import jax, jax.numpy as jnp
import numpy as np

NUM_SEGMENTS = 10000
D_EMB = 128
N_ACTIONS = 7


def _init_linear(key, fan_in, fan_out):
    # mimics initialize_parameters: normal(0,1) rows normalized to unit L2 norm, zero bias
    W = jax.random.normal(key, (fan_out, fan_in), dtype=jnp.float32)
    W = W / jnp.sqrt(jnp.sum(W ** 2, axis=1, keepdims=True))
    b = jnp.zeros((fan_out,), dtype=jnp.float32)
    # return transposed so forward is x @ W + b
    return W.T, b


def setup_inputs(seed: int = 0) -> dict:
    key = jax.random.key(seed)
    ks = jax.random.split(key, 8)
    N = 320000
    x = jax.random.normal(ks[0], (N, D_EMB), dtype=jnp.float32)
    m_batch = jnp.sort(jax.random.randint(ks[1], (N,), 0, NUM_SEGMENTS, dtype=jnp.int64))
    W1a, b1a = _init_linear(ks[2], D_EMB, 64)
    W2a, b2a = _init_linear(ks[3], 64, N_ACTIONS)
    W1c, b1c = _init_linear(ks[4], D_EMB, 64)
    W2c, b2c = _init_linear(ks[5], 64, 1)
    return {"x": x, "m_batch": m_batch,
            "W1a": W1a, "b1a": b1a, "W2a": W2a, "b2a": b2a,
            "W1c": W1c, "b1c": b1c, "W2c": W2c, "b2c": b2c}


def reference(x, m_batch, W1a, b1a, W2a, b2a, W1c, b1c, W2c, b2c):
    # scatter_sum(x, m_batch): segment-sum of slot-memory outputs into per-env embeddings
    embedding = jax.ops.segment_sum(x, m_batch, num_segments=NUM_SEGMENTS)
    # actor head: Linear -> Tanh -> Linear -> log_softmax (Categorical logits)
    ha = jnp.tanh(embedding @ W1a + b1a)
    logits = ha @ W2a + b2a
    log_probs = jax.nn.log_softmax(logits, axis=-1)
    # critic head: Linear -> Tanh -> Linear
    hc = jnp.tanh(embedding @ W1c + b1c)
    value = hc @ W2c + b2c
    return (log_probs, value)

if __name__ == "__main__":
    import jax
    _d = setup_inputs()
    print(jax.jit(kernel)(*tuple(_d.values())))

</pallas_src>

<mosaic_0001>
#map = affine_map<(d0, d1) -> (0, 0)>
#map1 = affine_map<(d0, d1) -> (0, 0, 0, 0)>
module attributes {stable_mosaic.version = 14 : i64} {
  func.func @seg_sum(%arg0: i32, %arg1: i32, %arg2: memref<320000x128xf32, #tpu.memory_space<hbm>>, %arg3: memref<32x79x1x128xi32, #tpu.memory_space<hbm>>, %arg4: memref<625x128xf32, #tpu.memory_space<hbm>>, %arg5: memref<2x16x625x128xf32, #tpu.memory_space<hbm>>, %arg6: memref<3x128x128xf32, #tpu.memory_space<vmem>>, %arg7: memref<3x1x128xi32, #tpu.memory_space<vmem>>, %arg8: memref<10000x128xf32, #tpu.memory_space<vmem_shared>>, %arg9: memref<!tpu.dma_semaphore, #tpu.memory_space<semaphore_mem>>, %arg10: memref<!tpu.dma_semaphore, #tpu.memory_space<semaphore_mem>>, %arg11: memref<!tpu.dma_semaphore, #tpu.memory_space<semaphore_mem>>, %arg12: memref<!tpu.dma_semaphore, #tpu.memory_space<semaphore_mem>>, %arg13: memref<!tpu.dma_semaphore, #tpu.memory_space<semaphore_mem>>, %arg14: memref<!tpu.dma_semaphore, #tpu.memory_space<semaphore_mem>>, %arg15: memref<!tpu.dma_semaphore, #tpu.memory_space<semaphore_mem>>, %arg16: memref<!tpu.dma_semaphore, #tpu.memory_space<semaphore_mem>>, %arg17: memref<!tpu.dma_semaphore, #tpu.memory_space<semaphore_mem>>) attributes {dimension_semantics = [#tpu.dimension_semantics<core_parallel>, #tpu.dimension_semantics<subcore_parallel>], iteration_bounds = array<i64: 2, 16>, scalar_prefetch = 0 : i64, scratch_operands = 12 : i64, tpu.core_type = #tpu.core_type<sc_vector_subcore>, window_params = [{transform_indices = #map}, {transform_indices = #map1}, {transform_indices = #map}, {transform_indices = #map1}]} {
    %mul3A = arith.constant 16 : i32
    %mul3A_0 = arith.muli %arg0, %mul3A : i32
    %add3A = arith.addi %mul3A_0, %arg1 : i32
    %mul3A_1 = arith.constant 625 : i32
    %mul3A_2 = arith.muli %arg1, %mul3A_1 : i32
    "tpu.region"() ({
      %run_scoped3A = tpu.sem_alloc : memref<!tpu.dma_semaphore, #tpu.memory_space<semaphore_mem>>
      %dma_start3A_94 = arith.constant 0 : i32
      %dma_start3A_95 = tpu.memref_slice %arg8[%mul3A_2, %dma_start3A_94] : memref<10000x128xf32, #tpu.memory_space<vmem_shared>> -> memref<625x128xf32, #tpu.memory_space<vmem_shared>>
      tpu.enqueue_dma source(%arg4 : memref<625x128xf32, #tpu.memory_space<hbm>>) target(%dma_start3A_95 : memref<625x128xf32, #tpu.memory_space<vmem_shared>>) target_semaphore(%run_scoped3A : memref<!tpu.dma_semaphore, #tpu.memory_space<semaphore_mem>>)
      %dma_wait3A_96 = arith.constant 0 : i32
      %dma_wait3A_97 = tpu.memref_slice %arg8[%mul3A_2, %dma_wait3A_96] : memref<10000x128xf32, #tpu.memory_space<vmem_shared>> -> memref<625x128xf32, #tpu.memory_space<vmem_shared>>
      tpu.wait_dma2 semaphore(%run_scoped3A : memref<!tpu.dma_semaphore, #tpu.memory_space<semaphore_mem>>) src(%arg4 : memref<625x128xf32, #tpu.memory_space<hbm>>) dst(%dma_wait3A_97 : memref<625x128xf32, #tpu.memory_space<vmem_shared>>)
      tpu.yield
    }) : () -> ()
    %barrier3A = arith.constant 0 : index
    tpu.barrier barrier_id(%barrier3A)
    %mul3A_3 = arith.constant 78 : i32
    %mul3A_4 = arith.muli %add3A, %mul3A_3 : i32
    %mul3A_5 = arith.constant 128 : i32
    %mul3A_6 = arith.muli %mul3A_4, %mul3A_5 : i32
    %add3A_7 = arith.constant 0 : i32
    %add3A_8 = arith.addi %mul3A_6, %add3A_7 : i32
    %dma_start3A = arith.constant 0 : i32
    %dma_start3A_9 = arith.constant 0 : i32
    %dma_start3A_10 = arith.constant 0 : i32
    %dma_start3A_11 = tpu.memref_slice %arg6[%dma_start3A, %dma_start3A_9, %dma_start3A_10] : memref<3x128x128xf32, #tpu.memory_space<vmem>> -> memref<1x128x128xf32, #tpu.memory_space<vmem>>
    %dma_start3A_12 = tpu.memref_squeeze %dma_start3A_11 : memref<1x128x128xf32, #tpu.memory_space<vmem>> -> memref<128x128xf32, #tpu.memory_space<vmem>>
    %dma_start3A_13 = arith.constant 0 : i32
    %dma_start3A_14 = tpu.memref_slice %arg2[%add3A_8, %dma_start3A_13] : memref<320000x128xf32, #tpu.memory_space<hbm>> -> memref<128x128xf32, #tpu.memory_space<hbm>>
    %dma_start3A_15 = arith.constant 0 : i32
    %dma_start3A_16 = arith.constant 0 : i32
    %dma_start3A_17 = tpu.memref_slice %arg6[%dma_start3A, %dma_start3A_15, %dma_start3A_16] : memref<3x128x128xf32, #tpu.memory_space<vmem>> -> memref<1x128x128xf32, #tpu.memory_space<vmem>>
    %dma_start3A_18 = tpu.memref_squeeze %dma_start3A_17 : memref<1x128x128xf32, #tpu.memory_space<vmem>> -> memref<128x128xf32, #tpu.memory_space<vmem>>
    %dma_start3A_19 = arith.constant 0 : i32
    %dma_start3A_20 = tpu.memref_slice %arg2[%add3A_8, %dma_start3A_19] : memref<320000x128xf32, #tpu.memory_space<hbm>> -> memref<128x128xf32, #tpu.memory_space<hbm>>
    tpu.enqueue_dma source(%dma_start3A_20 : memref<128x128xf32, #tpu.memory_space<hbm>>) target(%dma_start3A_18 : memref<128x128xf32, #tpu.memory_space<vmem>>) target_semaphore(%arg9 : memref<!tpu.dma_semaphore, #tpu.memory_space<semaphore_mem>>)
    %dma_start3A_21 = arith.constant 0 : i32
    %dma_start3A_22 = arith.constant 0 : i32
    %dma_start3A_23 = arith.constant 0 : i32
    %dma_start3A_24 = arith.constant 0 : i32
    %dma_start3A_25 = tpu.memref_slice %arg7[%dma_start3A_22, %dma_start3A_23, %dma_start3A_24] : memref<3x1x128xi32, #tpu.memory_space<vmem>> -> memref<1x1x128xi32, #tpu.memory_space<vmem>>
    %dma_start3A_26 = tpu.memref_squeeze %dma_start3A_25 : memref<1x1x128xi32, #tpu.memory_space<vmem>> -> memref<1x128xi32, #tpu.memory_space<vmem>>
    %dma_start3A_27 = arith.constant 0 : i32
    %dma_start3A_28 = arith.constant 0 : i32
    %dma_start3A_29 = tpu.memref_slice %arg3[%add3A, %dma_start3A_21, %dma_start3A_27, %dma_start3A_28] : memref<32x79x1x128xi32, #tpu.memory_space<hbm>> -> memref<1x1x1x128xi32, #tpu.memory_space<hbm>>
    %dma_start3A_30 = tpu.memref_squeeze %dma_start3A_29 : memref<1x1x1x128xi32, #tpu.memory_space<hbm>> -> memref<1x128xi32, #tpu.memory_space<hbm>>
    %dma_start3A_31 = arith.constant 0 : i32
    %dma_start3A_32 = arith.constant 0 : i32
    %dma_start3A_33 = tpu.memref_slice %arg7[%dma_start3A_22, %dma_start3A_31, %dma_start3A_32] : memref<3x1x128xi32, #tpu.memory_space<vmem>> -> memref<1x1x128xi32, #tpu.memory_space<vmem>>
    %dma_start3A_34 = tpu.memref_squeeze %dma_start3A_33 : memref<1x1x128xi32, #tpu.memory_space<vmem>> -> memref<1x128xi32, #tpu.memory_space<vmem>>
    %dma_start3A_35 = arith.constant 0 : i32
    %dma_start3A_36 = arith.constant 0 : i32
    %dma_start3A_37 = tpu.memref_slice %arg3[%add3A, %dma_start3A_21, %dma_start3A_35, %dma_start3A_36] : memref<32x79x1x128xi32, #tpu.memory_space<hbm>> -> memref<1x1x1x128xi32, #tpu.memory_space<hbm>>
    %dma_start3A_38 = tpu.memref_squeeze %dma_start3A_37 : memref<1x1x1x128xi32, #tpu.memory_space<hbm>> -> memref<1x128xi32, #tpu.memory_space<hbm>>
    tpu.enqueue_dma source(%dma_start3A_38 : memref<1x128xi32, #tpu.memory_space<hbm>>) target(%dma_start3A_34 : memref<1x128xi32, #tpu.memory_space<vmem>>) target_semaphore(%arg12 : memref<!tpu.dma_semaphore, #tpu.memory_space<semaphore_mem>>)
    %add3A_39 = arith.constant 128 : i32
    %add3A_40 = arith.addi %mul3A_6, %add3A_39 : i32
    %dma_start3A_41 = arith.constant 1 : i32
    %dma_start3A_42 = arith.constant 0 : i32
    %dma_start3A_43 = arith.constant 0 : i32
    %dma_start3A_44 = tpu.memref_slice %arg6[%dma_start3A_41, %dma_start3A_42, %dma_start3A_43] : memref<3x128x128xf32, #tpu.memory_space<vmem>> -> memref<1x128x128xf32, #tpu.memory_space<vmem>>
    %dma_start3A_45 = tpu.memref_squeeze %dma_start3A_44 : memref<1x128x128xf32, #tpu.memory_space<vmem>> -> memref<128x128xf32, #tpu.memory_space<vmem>>
    %dma_start3A_46 = arith.constant 0 : i32
    %dma_start3A_47 = tpu.memref_slice %arg2[%add3A_40, %dma_start3A_46] : memref<320000x128xf32, #tpu.memory_space<hbm>> -> memref<128x128xf32, #tpu.memory_space<hbm>>
    %dma_start3A_48 = arith.constant 0 : i32
    %dma_start3A_49 = arith.constant 0 : i32
    %dma_start3A_50 = tpu.memref_slice %arg6[%dma_start3A_41, %dma_start3A_48, %dma_start3A_49] : memref<3x128x128xf32, #tpu.memory_space<vmem>> -> memref<1x128x128xf32, #tpu.memory_space<vmem>>
    %dma_start3A_51 = tpu.memref_squeeze %dma_start3A_50 : memref<1x128x128xf32, #tpu.memory_space<vmem>> -> memref<128x128xf32, #tpu.memory_space<vmem>>
    %dma_start3A_52 = arith.constant 0 : i32
    %dma_start3A_53 = tpu.memref_slice %arg2[%add3A_40, %dma_start3A_52] : memref<320000x128xf32, #tpu.memory_space<hbm>> -> memref<128x128xf32, #tpu.memory_space<hbm>>
    tpu.enqueue_dma source(%dma_start3A_53 : memref<128x128xf32, #tpu.memory_space<hbm>>) target(%dma_start3A_51 : memref<128x128xf32, #tpu.memory_space<vmem>>) target_semaphore(%arg10 : memref<!tpu.dma_semaphore, #tpu.memory_space<semaphore_mem>>)
    %dma_start3A_54 = arith.constant 1 : i32
    %dma_start3A_55 = arith.constant 1 : i32
    %dma_start3A_56 = arith.constant 0 : i32
    %dma_start3A_57 = arith.constant 0 : i32
    %dma_start3A_58 = tpu.memref_slice %arg7[%dma_start3A_55, %dma_start3A_56, %dma_start3A_57] : memref<3x1x128xi32, #tpu.memory_space<vmem>> -> memref<1x1x128xi32, #tpu.memory_space<vmem>>
    %dma_start3A_59 = tpu.memref_squeeze %dma_start3A_58 : memref<1x1x128xi32, #tpu.memory_space<vmem>> -> memref<1x128xi32, #tpu.memory_space<vmem>>
    %dma_start3A_60 = arith.constant 0 : i32
    %dma_start3A_61 = arith.constant 0 : i32
    %dma_start3A_62 = tpu.memref_slice %arg3[%add3A, %dma_start3A_54, %dma_start3A_60, %dma_start3A_61] : memref<32x79x1x128xi32, #tpu.memory_space<hbm>> -> memref<1x1x1x128xi32, #tpu.memory_space<hbm>>
    %dma_start3A_63 = tpu.memref_squeeze %dma_start3A_62 : memref<1x1x1x128xi32, #tpu.memory_space<hbm>> -> memref<1x128xi32, #tpu.memory_space<hbm>>
    %dma_start3A_64 = arith.constant 0 : i32
    %dma_start3A_65 = arith.constant 0 : i32
    %dma_start3A_66 = tpu.memref_slice %arg7[%dma_start3A_55, %dma_start3A_64, %dma_start3A_65] : memref<3x1x128xi32, #tpu.memory_space<vmem>> -> memref<1x1x128xi32, #tpu.memory_space<vmem>>
    %dma_start3A_67 = tpu.memref_squeeze %dma_start3A_66 : memref<1x1x128xi32, #tpu.memory_space<vmem>> -> memref<1x128xi32, #tpu.memory_space<vmem>>
    %dma_start3A_68 = arith.constant 0 : i32
    %dma_start3A_69 = arith.constant 0 : i32
    %dma_start3A_70 = tpu.memref_slice %arg3[%add3A, %dma_start3A_54, %dma_start3A_68, %dma_start3A_69] : memref<32x79x1x128xi32, #tpu.memory_space<hbm>> -> memref<1x1x1x128xi32, #tpu.memory_space<hbm>>
    %dma_start3A_71 = tpu.memref_squeeze %dma_start3A_70 : memref<1x1x1x128xi32, #tpu.memory_space<hbm>> -> memref<1x128xi32, #tpu.memory_space<hbm>>
    tpu.enqueue_dma source(%dma_start3A_71 : memref<1x128xi32, #tpu.memory_space<hbm>>) target(%dma_start3A_67 : memref<1x128xi32, #tpu.memory_space<vmem>>) target_semaphore(%arg13 : memref<!tpu.dma_semaphore, #tpu.memory_space<semaphore_mem>>)
    %scan3A = arith.constant 0 : i32
    %scan3A_72 = arith.constant 0 : i32
    %scan3A_73 = arith.constant 26 : i32
    %scan3A_74 = arith.addi %scan3A_72, %scan3A_73 : i32
    %scan3A_75 = arith.constant 1 : i32
    scf.for %scan3A_94 = %scan3A_72 to %scan3A_74 step %scan3A_75  : i32 {
      %mul3A_95 = arith.constant 3 : i32
      %mul3A_96 = arith.muli %mul3A_95, %scan3A_94 : i32
      %add3A_97 = arith.constant 0 : i32
      %add3A_98 = arith.addi %mul3A_96, %add3A_97 : i32
      %lt3A_99 = arith.constant 78 : i32
      %lt3A_100 = arith.cmpi slt, %add3A_98, %lt3A_99 : i32
      %mul3A_101 = arith.constant 128 : i32
      %mul3A_102 = arith.muli %add3A_98, %mul3A_101 : i32
      %add3A_103 = arith.addi %mul3A_6, %mul3A_102 : i32
      %mul3A_104 = arith.constant 128 : i32
      %mul3A_105 = arith.muli %add3A, %mul3A_104 : i32
      %add3A_106 = arith.constant 319488 : i32
      %add3A_107 = arith.addi %add3A_106, %mul3A_105 : i32
      %select_n3A = arith.select %lt3A_100, %add3A_103, %add3A_107 : i32
      %multiple_of3A = tpu.assume_multiple %select_n3A, 128 : i32
      %dma_wait3A_108 = arith.constant 0 : i32
      %dma_wait3A_109 = arith.constant 0 : i32
      %dma_wait3A_110 = arith.constant 0 : i32
      %dma_wait3A_111 = tpu.memref_slice %arg6[%dma_wait3A_108, %dma_wait3A_109, %dma_wait3A_110] : memref<3x128x128xf32, #tpu.memory_space<vmem>> -> memref<1x128x128xf32, #tpu.memory_space<vmem>>
      %dma_wait3A_112 = tpu.memref_squeeze %dma_wait3A_111 : memref<1x128x128xf32, #tpu.memory_space<vmem>> -> memref<128x128xf32, #tpu.memory_space<vmem>>
      %dma_wait3A_113 = arith.constant 0 : i32
      %dma_wait3A_114 = tpu.memref_slice %arg2[%multiple_of3A, %dma_wait3A_113] : memref<320000x128xf32, #tpu.memory_space<hbm>> -> memref<128x128xf32, #tpu.memory_space<hbm>>
      %dma_wait3A_115 = arith.constant 0 : i32
      %dma_wait3A_116 = arith.constant 0 : i32
      %dma_wait3A_117 = tpu.memref_slice %arg6[%dma_wait3A_108, %dma_wait3A_115, %dma_wait3A_116] : memref<3x128x128xf32, #tpu.memory_space<vmem>> -> memref<1x128x128xf32, #tpu.memory_space<vmem>>
      %dma_wait3A_118 = tpu.memref_squeeze %dma_wait3A_117 : memref<1x128x128xf32, #tpu.memory_space<vmem>> -> memref<128x128xf32, #tpu.memory_space<vmem>>
      %dma_wait3A_119 = arith.constant 0 : i32
      %dma_wait3A_120 = tpu.memref_slice %arg2[%multiple_of3A, %dma_wait3A_119] : memref<320000x128xf32, #tpu.memory_space<hbm>> -> memref<128x128xf32, #tpu.memory_space<hbm>>
      tpu.wait_dma2 semaphore(%arg9 : memref<!tpu.dma_semaphore, #tpu.memory_space<semaphore_mem>>) src(%dma_wait3A_120 : memref<128x128xf32, #tpu.memory_space<hbm>>) dst(%dma_wait3A_118 : memref<128x128xf32, #tpu.memory_space<vmem>>)
      %dma_wait3A_121 = arith.constant 0 : i32
      %dma_wait3A_122 = arith.constant 0 : i32
      %dma_wait3A_123 = arith.constant 0 : i32
      %dma_wait3A_124 = tpu.memref_slice %arg7[%dma_wait3A_121, %dma_wait3A_122, %dma_wait3A_123] : memref<3x1x128xi32, #tpu.memory_space<vmem>> -> memref<1x1x128xi32, #tpu.memory_space<vmem>>
      %dma_wait3A_125 = tpu.memref_squeeze %dma_wait3A_124 : memref<1x1x128xi32, #tpu.memory_space<vmem>> -> memref<1x128xi32, #tpu.memory_space<vmem>>
      %dma_wait3A_126 = arith.constant 0 : i32
      %dma_wait3A_127 = arith.constant 0 : i32
      %dma_wait3A_128 = tpu.memref_slice %arg3[%add3A, %add3A_98, %dma_wait3A_126, %dma_wait3A_127] : memref<32x79x1x128xi32, #tpu.memory_space<hbm>> -> memref<1x1x1x128xi32, #tpu.memory_space<hbm>>
      %dma_wait3A_129 = tpu.memref_squeeze %dma_wait3A_128 : memref<1x1x1x128xi32, #tpu.memory_space<hbm>> -> memref<1x128xi32, #tpu.memory_space<hbm>>
      %dma_wait3A_130 = arith.constant 0 : i32
      %dma_wait3A_131 = arith.constant 0 : i32
      %dma_wait3A_132 = tpu.memref_slice %arg7[%dma_wait3A_121, %dma_wait3A_130, %dma_wait3A_131] : memref<3x1x128xi32, #tpu.memory_space<vmem>> -> memref<1x1x128xi32, #tpu.memory_space<vmem>>
      %dma_wait3A_133 = tpu.memref_squeeze %dma_wait3A_132 : memref<1x1x128xi32, #tpu.memory_space<vmem>> -> memref<1x128xi32, #tpu.memory_space<vmem>>
      %dma_wait3A_134 = arith.constant 0 : i32
      %dma_wait3A_135 = arith.constant 0 : i32
      %dma_wait3A_136 = tpu.memref_slice %arg3[%add3A, %add3A_98, %dma_wait3A_134, %dma_wait3A_135] : memref<32x79x1x128xi32, #tpu.memory_space<hbm>> -> memref<1x1x1x128xi32, #tpu.memory_space<hbm>>
      %dma_wait3A_137 = tpu.memref_squeeze %dma_wait3A_136 : memref<1x1x1x128xi32, #tpu.memory_space<hbm>> -> memref<1x128xi32, #tpu.memory_space<hbm>>
      tpu.wait_dma2 semaphore(%arg12 : memref<!tpu.dma_semaphore, #tpu.memory_space<semaphore_mem>>) src(%dma_wait3A_137 : memref<1x128xi32, #tpu.memory_space<hbm>>) dst(%dma_wait3A_133 : memref<1x128xi32, #tpu.memory_space<vmem>>)
      %dma_start3A_138 = arith.constant 0 : i32
      %dma_start3A_139 = arith.constant 0 : i32
      %dma_start3A_140 = arith.constant 0 : i32
      %dma_start3A_141 = arith.constant 0 : i32
      %dma_start3A_142 = arith.constant 0 : i32
      %dma_start3A_143 = tpu.memref_slice %arg6[%dma_start3A_138, %dma_start3A_141, %dma_start3A_142] : memref<3x128x128xf32, #tpu.memory_space<vmem>> -> memref<1x128x128xf32, #tpu.memory_space<vmem>>
      %dma_start3A_144 = tpu.memref_squeeze %dma_start3A_143 : memref<1x128x128xf32, #tpu.memory_space<vmem>> -> memref<128x128xf32, #tpu.memory_space<vmem>>
      %dma_start3A_145 = arith.constant 0 : i32
      %dma_start3A_146 = tpu.memref_slice %arg7[%dma_start3A_139, %dma_start3A_140, %dma_start3A_145] : memref<3x1x128xi32, #tpu.memory_space<vmem>> -> memref<1x1x128xi32, #tpu.memory_space<vmem>>
      %dma_start3A_147 = tpu.memref_squeeze %dma_start3A_146 : memref<1x1x128xi32, #tpu.memory_space<vmem>> -> memref<128xi32, #tpu.memory_space<vmem>>
      %dma_start3A_148 = arith.constant 0 : i32
      %dma_start3A_149 = arith.constant 0 : i32
      %dma_start3A_150 = tpu.memref_slice %arg8[%dma_start3A_148, %dma_start3A_149] : memref<10000x128xf32, #tpu.memory_space<vmem_shared>> -> memref<10000x128xf32, #tpu.memory_space<vmem_shared>>
      tpu.enqueue_indirect_dma source(%dma_start3A_144 : memref<128x128xf32, #tpu.memory_space<vmem>>) target(%dma_start3A_150 : memref<10000x128xf32, #tpu.memory_space<vmem_shared>>) offsets(%dma_start3A_147 : memref<128xi32, #tpu.memory_space<vmem>>) semaphore(%arg15 : memref<!tpu.dma_semaphore, #tpu.memory_space<semaphore_mem>>) {add = true}
      %ge3A = arith.constant 1 : i32
      %ge3A_151 = arith.cmpi sge, %add3A_98, %ge3A : i32
      %convert_element_type3A_152 = arith.extui %ge3A_151 : i1 to i32
      %cond3A_153 = arith.constant 0 : i32
      %cond3A_154 = arith.cmpi ne, %convert_element_type3A_152, %cond3A_153 : i32
      scf.if %cond3A_154 {
        %sub3A_307 = arith.constant 1 : i32
        %sub3A_308 = arith.subi %add3A_98, %sub3A_307 : i32
        %dma_wait3A_309 = arith.constant 2 : i32
        %dma_wait3A_310 = arith.constant 2 : i32
        %dma_wait3A_311 = arith.constant 0 : i32
        %dma_wait3A_312 = arith.constant 0 : i32
        %dma_wait3A_313 = arith.constant 0 : i32
        %dma_wait3A_314 = tpu.memref_slice %arg6[%dma_wait3A_309, %dma_wait3A_312, %dma_wait3A_313] : memref<3x128x128xf32, #tpu.memory_space<vmem>> -> memref<1x128x128xf32, #tpu.memory_space<vmem>>
        %dma_wait3A_315 = tpu.memref_squeeze %dma_wait3A_314 : memref<1x128x128xf32, #tpu.memory_space<vmem>> -> memref<128x128xf32, #tpu.memory_space<vmem>>
        %dma_wait3A_316 = arith.constant 0 : i32
        %dma_wait3A_317 = tpu.memref_slice %arg7[%dma_wait3A_310, %dma_wait3A_311, %dma_wait3A_316] : memref<3x1x128xi32, #tpu.memory_space<vmem>> -> memref<1x1x128xi32, #tpu.memory_space<vmem>>
        %dma_wait3A_318 = tpu.memref_squeeze %dma_wait3A_317 : memref<1x1x128xi32, #tpu.memory_space<vmem>> -> memref<128xi32, #tpu.memory_space<vmem>>
        %dma_wait3A_319 = arith.constant 0 : i32
        %dma_wait3A_320 = arith.constant 0 : i32
        %dma_wait3A_321 = tpu.memref_slice %arg8[%dma_wait3A_319, %dma_wait3A_320] : memref<10000x128xf32, #tpu.memory_space<vmem_shared>> -> memref<10000x128xf32, #tpu.memory_space<vmem_shared>>
        tpu.wait_indirect_dma semaphore(%arg17 : memref<!tpu.dma_semaphore, #tpu.memory_space<semaphore_mem>>) src(%dma_wait3A_315 : memref<128x128xf32, #tpu.memory_space<vmem>>) dst(%dma_wait3A_321 : memref<10000x128xf32, #tpu.memory_space<vmem_shared>>)
      } else {
      }
      %add3A_155 = arith.constant 3 : i32
      %add3A_156 = arith.addi %add3A_98, %add3A_155 : i32
      %sub3A = arith.constant 1 : i32
      %sub3A_157 = arith.subi %add3A_156, %sub3A : i32
      %lt3A_158 = arith.constant 78 : i32
      %lt3A_159 = arith.cmpi slt, %sub3A_157, %lt3A_158 : i32
      %convert_element_type3A_160 = arith.extui %lt3A_159 : i1 to i32
      %cond3A_161 = arith.constant 0 : i32
      %cond3A_162 = arith.cmpi ne, %convert_element_type3A_160, %cond3A_161 : i32
      scf.if %cond3A_162 {
        %add3A_307 = arith.constant 3 : i32
        %add3A_308 = arith.addi %add3A_98, %add3A_307 : i32
        %sub3A_309 = arith.constant 1 : i32
        %sub3A_310 = arith.subi %add3A_308, %sub3A_309 : i32
        %lt3A_311 = arith.constant 78 : i32
        %lt3A_312 = arith.cmpi slt, %sub3A_310, %lt3A_311 : i32
        %mul3A_313 = arith.constant 128 : i32
        %mul3A_314 = arith.muli %sub3A_310, %mul3A_313 : i32
        %add3A_315 = arith.addi %mul3A_6, %mul3A_314 : i32
        %mul3A_316 = arith.constant 128 : i32
        %mul3A_317 = arith.muli %add3A, %mul3A_316 : i32
        %add3A_318 = arith.constant 319488 : i32
        %add3A_319 = arith.addi %add3A_318, %mul3A_317 : i32
        %select_n3A_320 = arith.select %lt3A_312, %add3A_315, %add3A_319 : i32
        %multiple_of3A_321 = tpu.assume_multiple %select_n3A_320, 128 : i32
        %dma_start3A_322 = arith.constant 2 : i32
        %dma_start3A_323 = arith.constant 0 : i32
        %dma_start3A_324 = arith.constant 0 : i32
        %dma_start3A_325 = tpu.memref_slice %arg6[%dma_start3A_322, %dma_start3A_323, %dma_start3A_324] : memref<3x128x128xf32, #tpu.memory_space<vmem>> -> memref<1x128x128xf32, #tpu.memory_space<vmem>>
        %dma_start3A_326 = tpu.memref_squeeze %dma_start3A_325 : memref<1x128x128xf32, #tpu.memory_space<vmem>> -> memref<128x128xf32, #tpu.memory_space<vmem>>
        %dma_start3A_327 = arith.constant 0 : i32
        %dma_start3A_328 = tpu.memref_slice %arg2[%multiple_of3A_321, %dma_start3A_327] : memref<320000x128xf32, #tpu.memory_space<hbm>> -> memref<128x128xf32, #tpu.memory_space<hbm>>
        %dma_start3A_329 = arith.constant 0 : i32
        %dma_start3A_330 = arith.constant 0 : i32
        %dma_start3A_331 = tpu.memref_slice %arg6[%dma_start3A_322, %dma_start3A_329, %dma_start3A_330] : memref<3x128x128xf32, #tpu.memory_space<vmem>> -> memref<1x128x128xf32, #tpu.memory_space<vmem>>
        %dma_start3A_332 = tpu.memref_squeeze %dma_start3A_331 : memref<1x128x128xf32, #tpu.memory_space<vmem>> -> memref<128x128xf32, #tpu.memory_space<vmem>>
        %dma_start3A_333 = arith.constant 0 : i32
        %dma_start3A_334 = tpu.memref_slice %arg2[%multiple_of3A_321, %dma_start3A_333] : memref<320000x128xf32, #tpu.memory_space<hbm>> -> memref<128x128xf32, #tpu.memory_space<hbm>>
        tpu.enqueue_dma source(%dma_start3A_334 : memref<128x128xf32, #tpu.memory_space<hbm>>) target(%dma_start3A_332 : memref<128x128xf32, #tpu.memory_space<vmem>>) target_semaphore(%arg11 : memref<!tpu.dma_semaphore, #tpu.memory_space<semaphore_mem>>)
        %dma_start3A_335 = arith.constant 2 : i32
        %dma_start3A_336 = arith.constant 0 : i32
        %dma_start3A_337 = arith.constant 0 : i32
        %dma_start3A_338 = tpu.memref_slice %arg7[%dma_start3A_335, %dma_start3A_336, %dma_start3A_337] : memref<3x1x128xi32, #tpu.memory_space<vmem>> -> memref<1x1x128xi32, #tpu.memory_space<vmem>>
        %dma_start3A_339 = tpu.memref_squeeze %dma_start3A_338 : memref<1x1x128xi32, #tpu.memory_space<vmem>> -> memref<1x128xi32, #tpu.memory_space<vmem>>
        %dma_start3A_340 = arith.constant 0 : i32
        %dma_start3A_341 = arith.constant 0 : i32
        %dma_start3A_342 = tpu.memref_slice %arg3[%add3A, %sub3A_310, %dma_start3A_340, %dma_start3A_341] : memref<32x79x1x128xi32, #tpu.memory_space<hbm>> -> memref<1x1x1x128xi32, #tpu.memory_space<hbm>>
        %dma_start3A_343 = tpu.memref_squeeze %dma_start3A_342 : memref<1x1x1x128xi32, #tpu.memory_space<hbm>> -> memref<1x128xi32, #tpu.memory_space<hbm>>
        %dma_start3A_344 = arith.constant 0 : i32
        %dma_start3A_345 = arith.constant 0 : i32
        %dma_start3A_346 = tpu.memref_slice %arg7[%dma_start3A_335, %dma_start3A_344, %dma_start3A_345] : memref<3x1x128xi32, #tpu.memory_space<vmem>> -> memref<1x1x128xi32, #tpu.memory_space<vmem>>
        %dma_start3A_347 = tpu.memref_squeeze %dma_start3A_346 : memref<1x1x128xi32, #tpu.memory_space<vmem>> -> memref<1x128xi32, #tpu.memory_space<vmem>>
        %dma_start3A_348 = arith.constant 0 : i32
        %dma_start3A_349 = arith.constant 0 : i32
        %dma_start3A_350 = tpu.memref_slice %arg3[%add3A, %sub3A_310, %dma_start3A_348, %dma_start3A_349] : memref<32x79x1x128xi32, #tpu.memory_space<hbm>> -> memref<1x1x1x128xi32, #tpu.memory_space<hbm>>
        %dma_start3A_351 = tpu.memref_squeeze %dma_start3A_350 : memref<1x1x1x128xi32, #tpu.memory_space<hbm>> -> memref<1x128xi32, #tpu.memory_space<hbm>>
        tpu.enqueue_dma source(%dma_start3A_351 : memref<1x128xi32, #tpu.memory_space<hbm>>) target(%dma_start3A_347 : memref<1x128xi32, #tpu.memory_space<vmem>>) target_semaphore(%arg14 : memref<!tpu.dma_semaphore, #tpu.memory_space<semaphore_mem>>)
      } else {
      }
      %mul3A_163 = arith.constant 3 : i32
      %mul3A_164 = arith.muli %mul3A_163, %scan3A_94 : i32
      %add3A_165 = arith.constant 1 : i32
      %add3A_166 = arith.addi %mul3A_164, %add3A_165 : i32
      %lt3A_167 = arith.constant 78 : i32
      %lt3A_168 = arith.cmpi slt, %add3A_166, %lt3A_167 : i32
      %mul3A_169 = arith.constant 128 : i32
      %mul3A_170 = arith.muli %add3A_166, %mul3A_169 : i32
      %add3A_171 = arith.addi %mul3A_6, %mul3A_170 : i32
      %mul3A_172 = arith.constant 128 : i32
      %mul3A_173 = arith.muli %add3A, %mul3A_172 : i32
      %add3A_174 = arith.constant 319488 : i32
      %add3A_175 = arith.addi %add3A_174, %mul3A_173 : i32
      %select_n3A_176 = arith.select %lt3A_168, %add3A_171, %add3A_175 : i32
      %multiple_of3A_177 = tpu.assume_multiple %select_n3A_176, 128 : i32
      %dma_wait3A_178 = arith.constant 1 : i32
      %dma_wait3A_179 = arith.constant 0 : i32
      %dma_wait3A_180 = arith.constant 0 : i32
      %dma_wait3A_181 = tpu.memref_slice %arg6[%dma_wait3A_178, %dma_wait3A_179, %dma_wait3A_180] : memref<3x128x128xf32, #tpu.memory_space<vmem>> -> memref<1x128x128xf32, #tpu.memory_space<vmem>>
      %dma_wait3A_182 = tpu.memref_squeeze %dma_wait3A_181 : memref<1x128x128xf32, #tpu.memory_space<vmem>> -> memref<128x128xf32, #tpu.memory_space<vmem>>
      %dma_wait3A_183 = arith.constant 0 : i32
      %dma_wait3A_184 = tpu.memref_slice %arg2[%multiple_of3A_177, %dma_wait3A_183] : memref<320000x128xf32, #tpu.memory_space<hbm>> -> memref<128x128xf32, #tpu.memory_space<hbm>>
      %dma_wait3A_185 = arith.constant 0 : i32
      %dma_wait3A_186 = arith.constant 0 : i32
      %dma_wait3A_187 = tpu.memref_slice %arg6[%dma_wait3A_178, %dma_wait3A_185, %dma_wait3A_186] : memref<3x128x128xf32, #tpu.memory_space<vmem>> -> memref<1x128x128xf32, #tpu.memory_space<vmem>>
      %dma_wait3A_188 = tpu.memref_squeeze %dma_wait3A_187 : memref<1x128x128xf32, #tpu.memory_space<vmem>> -> memref<128x128xf32, #tpu.memory_space<vmem>>
      %dma_wait3A_189 = arith.constant 0 : i32
      %dma_wait3A_190 = tpu.memref_slice %arg2[%multiple_of3A_177, %dma_wait3A_189] : memref<320000x128xf32, #tpu.memory_space<hbm>> -> memref<128x128xf32, #tpu.memory_space<hbm>>
      tpu.wait_dma2 semaphore(%arg10 : memref<!tpu.dma_semaphore, #tpu.memory_space<semaphore_mem>>) src(%dma_wait3A_190 : memref<128x128xf32, #tpu.memory_space<hbm>>) dst(%dma_wait3A_188 : memref<128x128xf32, #tpu.memory_space<vmem>>)
      %dma_wait3A_191 = arith.constant 1 : i32
      %dma_wait3A_192 = arith.constant 0 : i32
      %dma_wait3A_193 = arith.constant 0 : i32
      %dma_wait3A_194 = tpu.memref_slice %arg7[%dma_wait3A_191, %dma_wait3A_192, %dma_wait3A_193] : memref<3x1x128xi32, #tpu.memory_space<vmem>> -> memref<1x1x128xi32, #tpu.memory_space<vmem>>
      %dma_wait3A_195 = tpu.memref_squeeze %dma_wait3A_194 : memref<1x1x128xi32, #tpu.memory_space<vmem>> -> memref<1x128xi32, #tpu.memory_space<vmem>>
      %dma_wait3A_196 = arith.constant 0 : i32
      %dma_wait3A_197 = arith.constant 0 : i32
      %dma_wait3A_198 = tpu.memref_slice %arg3[%add3A, %add3A_166, %dma_wait3A_196, %dma_wait3A_197] : memref<32x79x1x128xi32, #tpu.memory_space<hbm>> -> memref<1x1x1x128xi32, #tpu.memory_space<hbm>>
      %dma_wait3A_199 = tpu.memref_squeeze %dma_wait3A_198 : memref<1x1x1x128xi32, #tpu.memory_space<hbm>> -> memref<1x128xi32, #tpu.memory_space<hbm>>
      %dma_wait3A_200 = arith.constant 0 : i32
      %dma_wait3A_201 = arith.constant 0 : i32
      %dma_wait3A_202 = tpu.memref_slice %arg7[%dma_wait3A_191, %dma_wait3A_200, %dma_wait3A_201] : memref<3x1x128xi32, #tpu.memory_space<vmem>> -> memref<1x1x128xi32, #tpu.memory_space<vmem>>
      %dma_wait3A_203 = tpu.memref_squeeze %dma_wait3A_202 : memref<1x1x128xi32, #tpu.memory_space<vmem>> -> memref<1x128xi32, #tpu.memory_space<vmem>>
      %dma_wait3A_204 = arith.constant 0 : i32
      %dma_wait3A_205 = arith.constant 0 : i32
      %dma_wait3A_206 = tpu.memref_slice %arg3[%add3A, %add3A_166, %dma_wait3A_204, %dma_wait3A_205] : memref<32x79x1x128xi32, #tpu.memory_space<hbm>> -> memref<1x1x1x128xi32, #tpu.memory_space<hbm>>
      %dma_wait3A_207 = tpu.memref_squeeze %dma_wait3A_206 : memref<1x1x1x128xi32, #tpu.memory_space<hbm>> -> memref<1x128xi32, #tpu.memory_space<hbm>>
      tpu.wait_dma2 semaphore(%arg13 : memref<!tpu.dma_semaphore, #tpu.memory_space<semaphore_mem>>) src(%dma_wait3A_207 : memref<1x128xi32, #tpu.memory_space<hbm>>) dst(%dma_wait3A_203 : memref<1x128xi32, #tpu.memory_space<vmem>>)
      %dma_start3A_208 = arith.constant 1 : i32
      %dma_start3A_209 = arith.constant 1 : i32
      %dma_start3A_210 = arith.constant 0 : i32
      %dma_start3A_211 = arith.constant 0 : i32
      %dma_start3A_212 = arith.constant 0 : i32
      %dma_start3A_213 = tpu.memref_slice %arg6[%dma_start3A_208, %dma_start3A_211, %dma_start3A_212] : memref<3x128x128xf32, #tpu.memory_space<vmem>> -> memref<1x128x128xf32, #tpu.memory_space<vmem>>
      %dma_start3A_214 = tpu.memref_squeeze %dma_start3A_213 : memref<1x128x128xf32, #tpu.memory_space<vmem>> -> memref<128x128xf32, #tpu.memory_space<vmem>>
      %dma_start3A_215 = arith.constant 0 : i32
      %dma_start3A_216 = tpu.memref_slice %arg7[%dma_start3A_209, %dma_start3A_210, %dma_start3A_215] : memref<3x1x128xi32, #tpu.memory_space<vmem>> -> memref<1x1x128xi32, #tpu.memory_space<vmem>>
      %dma_start3A_217 = tpu.memref_squeeze %dma_start3A_216 : memref<1x1x128xi32, #tpu.memory_space<vmem>> -> memref<128xi32, #tpu.memory_space<vmem>>
      %dma_start3A_218 = arith.constant 0 : i32
      %dma_start3A_219 = arith.constant 0 : i32
      %dma_start3A_220 = tpu.memref_slice %arg8[%dma_start3A_218, %dma_start3A_219] : memref<10000x128xf32, #tpu.memory_space<vmem_shared>> -> memref<10000x128xf32, #tpu.memory_space<vmem_shared>>
      tpu.enqueue_indirect_dma source(%dma_start3A_214 : memref<128x128xf32, #tpu.memory_space<vmem>>) target(%dma_start3A_220 : memref<10000x128xf32, #tpu.memory_space<vmem_shared>>) offsets(%dma_start3A_217 : memref<128xi32, #tpu.memory_space<vmem>>) semaphore(%arg16 : memref<!tpu.dma_semaphore, #tpu.memory_space<semaphore_mem>>) {add = true}
      %ge3A_221 = arith.constant 1 : i32
      %ge3A_222 = arith.cmpi sge, %add3A_166, %ge3A_221 : i32
      %convert_element_type3A_223 = arith.extui %ge3A_222 : i1 to i32
      %cond3A_224 = arith.constant 0 : i32
      %cond3A_225 = arith.cmpi ne, %convert_element_type3A_223, %cond3A_224 : i32
      scf.if %cond3A_225 {
        %sub3A_307 = arith.constant 1 : i32
        %sub3A_308 = arith.subi %add3A_166, %sub3A_307 : i32
        %dma_wait3A_309 = arith.constant 0 : i32
        %dma_wait3A_310 = arith.constant 0 : i32
        %dma_wait3A_311 = arith.constant 0 : i32
        %dma_wait3A_312 = arith.constant 0 : i32
        %dma_wait3A_313 = arith.constant 0 : i32
        %dma_wait3A_314 = tpu.memref_slice %arg6[%dma_wait3A_309, %dma_wait3A_312, %dma_wait3A_313] : memref<3x128x128xf32, #tpu.memory_space<vmem>> -> memref<1x128x128xf32, #tpu.memory_space<vmem>>
        %dma_wait3A_315 = tpu.memref_squeeze %dma_wait3A_314 : memref<1x128x128xf32, #tpu.memory_space<vmem>> -> memref<128x128xf32, #tpu.memory_space<vmem>>
        %dma_wait3A_316 = arith.constant 0 : i32
        %dma_wait3A_317 = tpu.memref_slice %arg7[%dma_wait3A_310, %dma_wait3A_311, %dma_wait3A_316] : memref<3x1x128xi32, #tpu.memory_space<vmem>> -> memref<1x1x128xi32, #tpu.memory_space<vmem>>
        %dma_wait3A_318 = tpu.memref_squeeze %dma_wait3A_317 : memref<1x1x128xi32, #tpu.memory_space<vmem>> -> memref<128xi32, #tpu.memory_space<vmem>>
        %dma_wait3A_319 = arith.constant 0 : i32
        %dma_wait3A_320 = arith.constant 0 : i32
        %dma_wait3A_321 = tpu.memref_slice %arg8[%dma_wait3A_319, %dma_wait3A_320] : memref<10000x128xf32, #tpu.memory_space<vmem_shared>> -> memref<10000x128xf32, #tpu.memory_space<vmem_shared>>
        tpu.wait_indirect_dma semaphore(%arg15 : memref<!tpu.dma_semaphore, #tpu.memory_space<semaphore_mem>>) src(%dma_wait3A_315 : memref<128x128xf32, #tpu.memory_space<vmem>>) dst(%dma_wait3A_321 : memref<10000x128xf32, #tpu.memory_space<vmem_shared>>)
      } else {
      }
      %add3A_226 = arith.constant 3 : i32
      %add3A_227 = arith.addi %add3A_166, %add3A_226 : i32
      %sub3A_228 = arith.constant 1 : i32
      %sub3A_229 = arith.subi %add3A_227, %sub3A_228 : i32
      %lt3A_230 = arith.constant 78 : i32
      %lt3A_231 = arith.cmpi slt, %sub3A_229, %lt3A_230 : i32
      %convert_element_type3A_232 = arith.extui %lt3A_231 : i1 to i32
      %cond3A_233 = arith.constant 0 : i32
      %cond3A_234 = arith.cmpi ne, %convert_element_type3A_232, %cond3A_233 : i32
      scf.if %cond3A_234 {
        %add3A_307 = arith.constant 3 : i32
        %add3A_308 = arith.addi %add3A_166, %add3A_307 : i32
        %sub3A_309 = arith.constant 1 : i32
        %sub3A_310 = arith.subi %add3A_308, %sub3A_309 : i32
        %lt3A_311 = arith.constant 78 : i32
        %lt3A_312 = arith.cmpi slt, %sub3A_310, %lt3A_311 : i32
        %mul3A_313 = arith.constant 128 : i32
        %mul3A_314 = arith.muli %sub3A_310, %mul3A_313 : i32
        %add3A_315 = arith.addi %mul3A_6, %mul3A_314 : i32
        %mul3A_316 = arith.constant 128 : i32
        %mul3A_317 = arith.muli %add3A, %mul3A_316 : i32
        %add3A_318 = arith.constant 319488 : i32
        %add3A_319 = arith.addi %add3A_318, %mul3A_317 : i32
        %select_n3A_320 = arith.select %lt3A_312, %add3A_315, %add3A_319 : i32
        %multiple_of3A_321 = tpu.assume_multiple %select_n3A_320, 128 : i32
        %dma_start3A_322 = arith.constant 0 : i32
        %dma_start3A_323 = arith.constant 0 : i32
        %dma_start3A_324 = arith.constant 0 : i32
        %dma_start3A_325 = tpu.memref_slice %arg6[%dma_start3A_322, %dma_start3A_323, %dma_start3A_324] : memref<3x128x128xf32, #tpu.memory_space<vmem>> -> memref<1x128x128xf32, #tpu.memory_space<vmem>>
        %dma_start3A_326 = tpu.memref_squeeze %dma_start3A_325 : memref<1x128x128xf32, #tpu.memory_space<vmem>> -> memref<128x128xf32, #tpu.memory_space<vmem>>
        %dma_start3A_327 = arith.constant 0 : i32
        %dma_start3A_328 = tpu.memref_slice %arg2[%multiple_of3A_321, %dma_start3A_327] : memref<320000x128xf32, #tpu.memory_space<hbm>> -> memref<128x128xf32, #tpu.memory_space<hbm>>
        %dma_start3A_329 = arith.constant 0 : i32
        %dma_start3A_330 = arith.constant 0 : i32
        %dma_start3A_331 = tpu.memref_slice %arg6[%dma_start3A_322, %dma_start3A_329, %dma_start3A_330] : memref<3x128x128xf32, #tpu.memory_space<vmem>> -> memref<1x128x128xf32, #tpu.memory_space<vmem>>
        %dma_start3A_332 = tpu.memref_squeeze %dma_start3A_331 : memref<1x128x128xf32, #tpu.memory_space<vmem>> -> memref<128x128xf32, #tpu.memory_space<vmem>>
        %dma_start3A_333 = arith.constant 0 : i32
        %dma_start3A_334 = tpu.memref_slice %arg2[%multiple_of3A_321, %dma_start3A_333] : memref<320000x128xf32, #tpu.memory_space<hbm>> -> memref<128x128xf32, #tpu.memory_space<hbm>>
        tpu.enqueue_dma source(%dma_start3A_334 : memref<128x128xf32, #tpu.memory_space<hbm>>) target(%dma_start3A_332 : memref<128x128xf32, #tpu.memory_space<vmem>>) target_semaphore(%arg9 : memref<!tpu.dma_semaphore, #tpu.memory_space<semaphore_mem>>)
        %dma_start3A_335 = arith.constant 0 : i32
        %dma_start3A_336 = arith.constant 0 : i32
        %dma_start3A_337 = arith.constant 0 : i32
        %dma_start3A_338 = tpu.memref_slice %arg7[%dma_start3A_335, %dma_start3A_336, %dma_start3A_337] : memref<3x1x128xi32, #tpu.memory_space<vmem>> -> memref<1x1x128xi32, #tpu.memory_space<vmem>>
        %dma_start3A_339 = tpu.memref_squeeze %dma_start3A_338 : memref<1x1x128xi32, #tpu.memory_space<vmem>> -> memref<1x128xi32, #tpu.memory_space<vmem>>
        %dma_start3A_340 = arith.constant 0 : i32
        %dma_start3A_341 = arith.constant 0 : i32
        %dma_start3A_342 = tpu.memref_slice %arg3[%add3A, %sub3A_310, %dma_start3A_340, %dma_start3A_341] : memref<32x79x1x128xi32, #tpu.memory_space<hbm>> -> memref<1x1x1x128xi32, #tpu.memory_space<hbm>>
        %dma_start3A_343 = tpu.memref_squeeze %dma_start3A_342 : memref<1x1x1x128xi32, #tpu.memory_space<hbm>> -> memref<1x128xi32, #tpu.memory_space<hbm>>
        %dma_start3A_344 = arith.constant 0 : i32
        %dma_start3A_345 = arith.constant 0 : i32
        %dma_start3A_346 = tpu.memref_slice %arg7[%dma_start3A_335, %dma_start3A_344, %dma_start3A_345] : memref<3x1x128xi32, #tpu.memory_space<vmem>> -> memref<1x1x128xi32, #tpu.memory_space<vmem>>
        %dma_start3A_347 = tpu.memref_squeeze %dma_start3A_346 : memref<1x1x128xi32, #tpu.memory_space<vmem>> -> memref<1x128xi32, #tpu.memory_space<vmem>>
        %dma_start3A_348 = arith.constant 0 : i32
        %dma_start3A_349 = arith.constant 0 : i32
        %dma_start3A_350 = tpu.memref_slice %arg3[%add3A, %sub3A_310, %dma_start3A_348, %dma_start3A_349] : memref<32x79x1x128xi32, #tpu.memory_space<hbm>> -> memref<1x1x1x128xi32, #tpu.memory_space<hbm>>
        %dma_start3A_351 = tpu.memref_squeeze %dma_start3A_350 : memref<1x1x1x128xi32, #tpu.memory_space<hbm>> -> memref<1x128xi32, #tpu.memory_space<hbm>>
        tpu.enqueue_dma source(%dma_start3A_351 : memref<1x128xi32, #tpu.memory_space<hbm>>) target(%dma_start3A_347 : memref<1x128xi32, #tpu.memory_space<vmem>>) target_semaphore(%arg12 : memref<!tpu.dma_semaphore, #tpu.memory_space<semaphore_mem>>)
      } else {
      }
      %mul3A_235 = arith.constant 3 : i32
      %mul3A_236 = arith.muli %mul3A_235, %scan3A_94 : i32
      %add3A_237 = arith.constant 2 : i32
      %add3A_238 = arith.addi %mul3A_236, %add3A_237 : i32
      %lt3A_239 = arith.constant 78 : i32
      %lt3A_240 = arith.cmpi slt, %add3A_238, %lt3A_239 : i32
      %mul3A_241 = arith.constant 128 : i32
      %mul3A_242 = arith.muli %add3A_238, %mul3A_241 : i32
      %add3A_243 = arith.addi %mul3A_6, %mul3A_242 : i32
      %mul3A_244 = arith.constant 128 : i32
      %mul3A_245 = arith.muli %add3A, %mul3A_244 : i32
      %add3A_246 = arith.constant 319488 : i32
      %add3A_247 = arith.addi %add3A_246, %mul3A_245 : i32
      %select_n3A_248 = arith.select %lt3A_240, %add3A_243, %add3A_247 : i32
      %multiple_of3A_249 = tpu.assume_multiple %select_n3A_248, 128 : i32
      %dma_wait3A_250 = arith.constant 2 : i32
      %dma_wait3A_251 = arith.constant 0 : i32
      %dma_wait3A_252 = arith.constant 0 : i32
      %dma_wait3A_253 = tpu.memref_slice %arg6[%dma_wait3A_250, %dma_wait3A_251, %dma_wait3A_252] : memref<3x128x128xf32, #tpu.memory_space<vmem>> -> memref<1x128x128xf32, #tpu.memory_space<vmem>>
      %dma_wait3A_254 = tpu.memref_squeeze %dma_wait3A_253 : memref<1x128x128xf32, #tpu.memory_space<vmem>> -> memref<128x128xf32, #tpu.memory_space<vmem>>
      %dma_wait3A_255 = arith.constant 0 : i32
      %dma_wait3A_256 = tpu.memref_slice %arg2[%multiple_of3A_249, %dma_wait3A_255] : memref<320000x128xf32, #tpu.memory_space<hbm>> -> memref<128x128xf32, #tpu.memory_space<hbm>>
      %dma_wait3A_257 = arith.constant 0 : i32
      %dma_wait3A_258 = arith.constant 0 : i32
      %dma_wait3A_259 = tpu.memref_slice %arg6[%dma_wait3A_250, %dma_wait3A_257, %dma_wait3A_258] : memref<3x128x128xf32, #tpu.memory_space<vmem>> -> memref<1x128x128xf32, #tpu.memory_space<vmem>>
      %dma_wait3A_260 = tpu.memref_squeeze %dma_wait3A_259 : memref<1x128x128xf32, #tpu.memory_space<vmem>> -> memref<128x128xf32, #tpu.memory_space<vmem>>
      %dma_wait3A_261 = arith.constant 0 : i32
      %dma_wait3A_262 = tpu.memref_slice %arg2[%multiple_of3A_249, %dma_wait3A_261] : memref<320000x128xf32, #tpu.memory_space<hbm>> -> memref<128x128xf32, #tpu.memory_space<hbm>>
      tpu.wait_dma2 semaphore(%arg11 : memref<!tpu.dma_semaphore, #tpu.memory_space<semaphore_mem>>) src(%dma_wait3A_262 : memref<128x128xf32, #tpu.memory_space<hbm>>) dst(%dma_wait3A_260 : memref<128x128xf32, #tpu.memory_space<vmem>>)
      %dma_wait3A_263 = arith.constant 2 : i32
      %dma_wait3A_264 = arith.constant 0 : i32
      %dma_wait3A_265 = arith.constant 0 : i32
      %dma_wait3A_266 = tpu.memref_slice %arg7[%dma_wait3A_263, %dma_wait3A_264, %dma_wait3A_265] : memref<3x1x128xi32, #tpu.memory_space<vmem>> -> memref<1x1x128xi32, #tpu.memory_space<vmem>>
      %dma_wait3A_267 = tpu.memref_squeeze %dma_wait3A_266 : memref<1x1x128xi32, #tpu.memory_space<vmem>> -> memref<1x128xi32, #tpu.memory_space<vmem>>
      %dma_wait3A_268 = arith.constant 0 : i32
      %dma_wait3A_269 = arith.constant 0 : i32
      %dma_wait3A_270 = tpu.memref_slice %arg3[%add3A, %add3A_238, %dma_wait3A_268, %dma_wait3A_269] : memref<32x79x1x128xi32, #tpu.memory_space<hbm>> -> memref<1x1x1x128xi32, #tpu.memory_space<hbm>>
      %dma_wait3A_271 = tpu.memref_squeeze %dma_wait3A_270 : memref<1x1x1x128xi32, #tpu.memory_space<hbm>> -> memref<1x128xi32, #tpu.memory_space<hbm>>
      %dma_wait3A_272 = arith.constant 0 : i32
      %dma_wait3A_273 = arith.constant 0 : i32
      %dma_wait3A_274 = tpu.memref_slice %arg7[%dma_wait3A_263, %dma_wait3A_272, %dma_wait3A_273] : memref<3x1x128xi32, #tpu.memory_space<vmem>> -> memref<1x1x128xi32, #tpu.memory_space<vmem>>
      %dma_wait3A_275 = tpu.memref_squeeze %dma_wait3A_274 : memref<1x1x128xi32, #tpu.memory_space<vmem>> -> memref<1x128xi32, #tpu.memory_space<vmem>>
      %dma_wait3A_276 = arith.constant 0 : i32
      %dma_wait3A_277 = arith.constant 0 : i32
      %dma_wait3A_278 = tpu.memref_slice %arg3[%add3A, %add3A_238, %dma_wait3A_276, %dma_wait3A_277] : memref<32x79x1x128xi32, #tpu.memory_space<hbm>> -> memref<1x1x1x128xi32, #tpu.memory_space<hbm>>
      %dma_wait3A_279 = tpu.memref_squeeze %dma_wait3A_278 : memref<1x1x1x128xi32, #tpu.memory_space<hbm>> -> memref<1x128xi32, #tpu.memory_space<hbm>>
      tpu.wait_dma2 semaphore(%arg14 : memref<!tpu.dma_semaphore, #tpu.memory_space<semaphore_mem>>) src(%dma_wait3A_279 : memref<1x128xi32, #tpu.memory_space<hbm>>) dst(%dma_wait3A_275 : memref<1x128xi32, #tpu.memory_space<vmem>>)
      %dma_start3A_280 = arith.constant 2 : i32
      %dma_start3A_281 = arith.constant 2 : i32
      %dma_start3A_282 = arith.constant 0 : i32
      %dma_start3A_283 = arith.constant 0 : i32
      %dma_start3A_284 = arith.constant 0 : i32
      %dma_start3A_285 = tpu.memref_slice %arg6[%dma_start3A_280, %dma_start3A_283, %dma_start3A_284] : memref<3x128x128xf32, #tpu.memory_space<vmem>> -> memref<1x128x128xf32, #tpu.memory_space<vmem>>
      %dma_start3A_286 = tpu.memref_squeeze %dma_start3A_285 : memref<1x128x128xf32, #tpu.memory_space<vmem>> -> memref<128x128xf32, #tpu.memory_space<vmem>>
      %dma_start3A_287 = arith.constant 0 : i32
      %dma_start3A_288 = tpu.memref_slice %arg7[%dma_start3A_281, %dma_start3A_282, %dma_start3A_287] : memref<3x1x128xi32, #tpu.memory_space<vmem>> -> memref<1x1x128xi32, #tpu.memory_space<vmem>>
      %dma_start3A_289 = tpu.memref_squeeze %dma_start3A_288 : memref<1x1x128xi32, #tpu.memory_space<vmem>> -> memref<128xi32, #tpu.memory_space<vmem>>
      %dma_start3A_290 = arith.constant 0 : i32
      %dma_start3A_291 = arith.constant 0 : i32
      %dma_start3A_292 = tpu.memref_slice %arg8[%dma_start3A_290, %dma_start3A_291] : memref<10000x128xf32, #tpu.memory_space<vmem_shared>> -> memref<10000x128xf32, #tpu.memory_space<vmem_shared>>
      tpu.enqueue_indirect_dma source(%dma_start3A_286 : memref<128x128xf32, #tpu.memory_space<vmem>>) target(%dma_start3A_292 : memref<10000x128xf32, #tpu.memory_space<vmem_shared>>) offsets(%dma_start3A_289 : memref<128xi32, #tpu.memory_space<vmem>>) semaphore(%arg17 : memref<!tpu.dma_semaphore, #tpu.memory_space<semaphore_mem>>) {add = true}
      %ge3A_293 = arith.constant 1 : i32
      %ge3A_294 = arith.cmpi sge, %add3A_238, %ge3A_293 : i32
      %convert_element_type3A_295 = arith.extui %ge3A_294 : i1 to i32
      %cond3A_296 = arith.constant 0 : i32
      %cond3A_297 = arith.cmpi ne, %convert_element_type3A_295, %cond3A_296 : i32
      scf.if %cond3A_297 {
        %sub3A_307 = arith.constant 1 : i32
        %sub3A_308 = arith.subi %add3A_238, %sub3A_307 : i32
        %dma_wait3A_309 = arith.constant 1 : i32
        %dma_wait3A_310 = arith.constant 1 : i32
        %dma_wait3A_311 = arith.constant 0 : i32
        %dma_wait3A_312 = arith.constant 0 : i32
        %dma_wait3A_313 = arith.constant 0 : i32
        %dma_wait3A_314 = tpu.memref_slice %arg6[%dma_wait3A_309, %dma_wait3A_312, %dma_wait3A_313] : memref<3x128x128xf32, #tpu.memory_space<vmem>> -> memref<1x128x128xf32, #tpu.memory_space<vmem>>
        %dma_wait3A_315 = tpu.memref_squeeze %dma_wait3A_314 : memref<1x128x128xf32, #tpu.memory_space<vmem>> -> memref<128x128xf32, #tpu.memory_space<vmem>>
        %dma_wait3A_316 = arith.constant 0 : i32
        %dma_wait3A_317 = tpu.memref_slice %arg7[%dma_wait3A_310, %dma_wait3A_311, %dma_wait3A_316] : memref<3x1x128xi32, #tpu.memory_space<vmem>> -> memref<1x1x128xi32, #tpu.memory_space<vmem>>
        %dma_wait3A_318 = tpu.memref_squeeze %dma_wait3A_317 : memref<1x1x128xi32, #tpu.memory_space<vmem>> -> memref<128xi32, #tpu.memory_space<vmem>>
        %dma_wait3A_319 = arith.constant 0 : i32
        %dma_wait3A_320 = arith.constant 0 : i32
        %dma_wait3A_321 = tpu.memref_slice %arg8[%dma_wait3A_319, %dma_wait3A_320] : memref<10000x128xf32, #tpu.memory_space<vmem_shared>> -> memref<10000x128xf32, #tpu.memory_space<vmem_shared>>
        tpu.wait_indirect_dma semaphore(%arg16 : memref<!tpu.dma_semaphore, #tpu.memory_space<semaphore_mem>>) src(%dma_wait3A_315 : memref<128x128xf32, #tpu.memory_space<vmem>>) dst(%dma_wait3A_321 : memref<10000x128xf32, #tpu.memory_space<vmem_shared>>)
      } else {
      }
      %add3A_298 = arith.constant 3 : i32
      %add3A_299 = arith.addi %add3A_238, %add3A_298 : i32
      %sub3A_300 = arith.constant 1 : i32
      %sub3A_301 = arith.subi %add3A_299, %sub3A_300 : i32
      %lt3A_302 = arith.constant 78 : i32
      %lt3A_303 = arith.cmpi slt, %sub3A_301, %lt3A_302 : i32
      %convert_element_type3A_304 = arith.extui %lt3A_303 : i1 to i32
      %cond3A_305 = arith.constant 0 : i32
      %cond3A_306 = arith.cmpi ne, %convert_element_type3A_304, %cond3A_305 : i32
      scf.if %cond3A_306 {
        %add3A_307 = arith.constant 3 : i32
        %add3A_308 = arith.addi %add3A_238, %add3A_307 : i32
        %sub3A_309 = arith.constant 1 : i32
        %sub3A_310 = arith.subi %add3A_308, %sub3A_309 : i32
        %lt3A_311 = arith.constant 78 : i32
        %lt3A_312 = arith.cmpi slt, %sub3A_310, %lt3A_311 : i32
        %mul3A_313 = arith.constant 128 : i32
        %mul3A_314 = arith.muli %sub3A_310, %mul3A_313 : i32
        %add3A_315 = arith.addi %mul3A_6, %mul3A_314 : i32
        %mul3A_316 = arith.constant 128 : i32
        %mul3A_317 = arith.muli %add3A, %mul3A_316 : i32
        %add3A_318 = arith.constant 319488 : i32
        %add3A_319 = arith.addi %add3A_318, %mul3A_317 : i32
        %select_n3A_320 = arith.select %lt3A_312, %add3A_315, %add3A_319 : i32
        %multiple_of3A_321 = tpu.assume_multiple %select_n3A_320, 128 : i32
        %dma_start3A_322 = arith.constant 1 : i32
        %dma_start3A_323 = arith.constant 0 : i32
        %dma_start3A_324 = arith.constant 0 : i32
        %dma_start3A_325 = tpu.memref_slice %arg6[%dma_start3A_322, %dma_start3A_323, %dma_start3A_324] : memref<3x128x128xf32, #tpu.memory_space<vmem>> -> memref<1x128x128xf32, #tpu.memory_space<vmem>>
        %dma_start3A_326 = tpu.memref_squeeze %dma_start3A_325 : memref<1x128x128xf32, #tpu.memory_space<vmem>> -> memref<128x128xf32, #tpu.memory_space<vmem>>
        %dma_start3A_327 = arith.constant 0 : i32
        %dma_start3A_328 = tpu.memref_slice %arg2[%multiple_of3A_321, %dma_start3A_327] : memref<320000x128xf32, #tpu.memory_space<hbm>> -> memref<128x128xf32, #tpu.memory_space<hbm>>
        %dma_start3A_329 = arith.constant 0 : i32
        %dma_start3A_330 = arith.constant 0 : i32
        %dma_start3A_331 = tpu.memref_slice %arg6[%dma_start3A_322, %dma_start3A_329, %dma_start3A_330] : memref<3x128x128xf32, #tpu.memory_space<vmem>> -> memref<1x128x128xf32, #tpu.memory_space<vmem>>
        %dma_start3A_332 = tpu.memref_squeeze %dma_start3A_331 : memref<1x128x128xf32, #tpu.memory_space<vmem>> -> memref<128x128xf32, #tpu.memory_space<vmem>>
        %dma_start3A_333 = arith.constant 0 : i32
        %dma_start3A_334 = tpu.memref_slice %arg2[%multiple_of3A_321, %dma_start3A_333] : memref<320000x128xf32, #tpu.memory_space<hbm>> -> memref<128x128xf32, #tpu.memory_space<hbm>>
        tpu.enqueue_dma source(%dma_start3A_334 : memref<128x128xf32, #tpu.memory_space<hbm>>) target(%dma_start3A_332 : memref<128x128xf32, #tpu.memory_space<vmem>>) target_semaphore(%arg10 : memref<!tpu.dma_semaphore, #tpu.memory_space<semaphore_mem>>)
        %dma_start3A_335 = arith.constant 1 : i32
        %dma_start3A_336 = arith.constant 0 : i32
        %dma_start3A_337 = arith.constant 0 : i32
        %dma_start3A_338 = tpu.memref_slice %arg7[%dma_start3A_335, %dma_start3A_336, %dma_start3A_337] : memref<3x1x128xi32, #tpu.memory_space<vmem>> -> memref<1x1x128xi32, #tpu.memory_space<vmem>>
        %dma_start3A_339 = tpu.memref_squeeze %dma_start3A_338 : memref<1x1x128xi32, #tpu.memory_space<vmem>> -> memref<1x128xi32, #tpu.memory_space<vmem>>
        %dma_start3A_340 = arith.constant 0 : i32
        %dma_start3A_341 = arith.constant 0 : i32
        %dma_start3A_342 = tpu.memref_slice %arg3[%add3A, %sub3A_310, %dma_start3A_340, %dma_start3A_341] : memref<32x79x1x128xi32, #tpu.memory_space<hbm>> -> memref<1x1x1x128xi32, #tpu.memory_space<hbm>>
        %dma_start3A_343 = tpu.memref_squeeze %dma_start3A_342 : memref<1x1x1x128xi32, #tpu.memory_space<hbm>> -> memref<1x128xi32, #tpu.memory_space<hbm>>
        %dma_start3A_344 = arith.constant 0 : i32
        %dma_start3A_345 = arith.constant 0 : i32
        %dma_start3A_346 = tpu.memref_slice %arg7[%dma_start3A_335, %dma_start3A_344, %dma_start3A_345] : memref<3x1x128xi32, #tpu.memory_space<vmem>> -> memref<1x1x128xi32, #tpu.memory_space<vmem>>
        %dma_start3A_347 = tpu.memref_squeeze %dma_start3A_346 : memref<1x1x128xi32, #tpu.memory_space<vmem>> -> memref<1x128xi32, #tpu.memory_space<vmem>>
        %dma_start3A_348 = arith.constant 0 : i32
        %dma_start3A_349 = arith.constant 0 : i32
        %dma_start3A_350 = tpu.memref_slice %arg3[%add3A, %sub3A_310, %dma_start3A_348, %dma_start3A_349] : memref<32x79x1x128xi32, #tpu.memory_space<hbm>> -> memref<1x1x1x128xi32, #tpu.memory_space<hbm>>
        %dma_start3A_351 = tpu.memref_squeeze %dma_start3A_350 : memref<1x1x1x128xi32, #tpu.memory_space<hbm>> -> memref<1x128xi32, #tpu.memory_space<hbm>>
        tpu.enqueue_dma source(%dma_start3A_351 : memref<1x128xi32, #tpu.memory_space<hbm>>) target(%dma_start3A_347 : memref<1x128xi32, #tpu.memory_space<vmem>>) target_semaphore(%arg13 : memref<!tpu.dma_semaphore, #tpu.memory_space<semaphore_mem>>)
      } else {
      }
    }
    %scan3A_76 = arith.constant 26 : i32
    %dma_wait3A = arith.constant 2 : i32
    %dma_wait3A_77 = arith.constant 2 : i32
    %dma_wait3A_78 = arith.constant 0 : i32
    %dma_wait3A_79 = arith.constant 0 : i32
    %dma_wait3A_80 = arith.constant 0 : i32
    %dma_wait3A_81 = tpu.memref_slice %arg6[%dma_wait3A, %dma_wait3A_79, %dma_wait3A_80] : memref<3x128x128xf32, #tpu.memory_space<vmem>> -> memref<1x128x128xf32, #tpu.memory_space<vmem>>
    %dma_wait3A_82 = tpu.memref_squeeze %dma_wait3A_81 : memref<1x128x128xf32, #tpu.memory_space<vmem>> -> memref<128x128xf32, #tpu.memory_space<vmem>>
    %dma_wait3A_83 = arith.constant 0 : i32
    %dma_wait3A_84 = tpu.memref_slice %arg7[%dma_wait3A_77, %dma_wait3A_78, %dma_wait3A_83] : memref<3x1x128xi32, #tpu.memory_space<vmem>> -> memref<1x1x128xi32, #tpu.memory_space<vmem>>
    %dma_wait3A_85 = tpu.memref_squeeze %dma_wait3A_84 : memref<1x1x128xi32, #tpu.memory_space<vmem>> -> memref<128xi32, #tpu.memory_space<vmem>>
    %dma_wait3A_86 = arith.constant 0 : i32
    %dma_wait3A_87 = arith.constant 0 : i32
    %dma_wait3A_88 = tpu.memref_slice %arg8[%dma_wait3A_86, %dma_wait3A_87] : memref<10000x128xf32, #tpu.memory_space<vmem_shared>> -> memref<10000x128xf32, #tpu.memory_space<vmem_shared>>
    tpu.wait_indirect_dma semaphore(%arg17 : memref<!tpu.dma_semaphore, #tpu.memory_space<semaphore_mem>>) src(%dma_wait3A_82 : memref<128x128xf32, #tpu.memory_space<vmem>>) dst(%dma_wait3A_88 : memref<10000x128xf32, #tpu.memory_space<vmem_shared>>)
    %lt3A = arith.constant 4 : i32
    %lt3A_89 = arith.cmpi slt, %add3A, %lt3A : i32
    %convert_element_type3A = arith.extui %lt3A_89 : i1 to i32
    %cond3A = arith.constant 0 : i32
    %cond3A_90 = arith.cmpi ne, %convert_element_type3A, %cond3A : i32
    scf.if %cond3A_90 {
      %add3A_94 = arith.constant 9984 : i32
      %add3A_95 = arith.addi %mul3A_6, %add3A_94 : i32
      %mul3A_96 = arith.constant 128 : i32
      %mul3A_97 = arith.muli %add3A, %mul3A_96 : i32
      %add3A_98 = arith.constant 319488 : i32
      %add3A_99 = arith.addi %add3A_98, %mul3A_97 : i32
      %jit3A = arith.constant false
      %select_n3A = arith.select %jit3A, %add3A_95, %add3A_99 : i32
      %multiple_of3A = tpu.assume_multiple %select_n3A, 128 : i32
      %run_scoped3A = arith.constant 0 : i32
      "tpu.region"() ({
        %run_scoped3A_105 = tpu.sem_alloc : memref<!tpu.dma_semaphore, #tpu.memory_space<semaphore_mem>>
        %dma_start3A_106 = arith.constant 0 : i32
        %dma_start3A_107 = arith.constant 0 : i32
        %dma_start3A_108 = tpu.memref_slice %arg6[%run_scoped3A, %dma_start3A_106, %dma_start3A_107] : memref<3x128x128xf32, #tpu.memory_space<vmem>> -> memref<1x128x128xf32, #tpu.memory_space<vmem>>
        %dma_start3A_109 = tpu.memref_squeeze %dma_start3A_108 : memref<1x128x128xf32, #tpu.memory_space<vmem>> -> memref<128x128xf32, #tpu.memory_space<vmem>>
        %dma_start3A_110 = arith.constant 0 : i32
        %dma_start3A_111 = tpu.memref_slice %arg2[%multiple_of3A, %dma_start3A_110] : memref<320000x128xf32, #tpu.memory_space<hbm>> -> memref<128x128xf32, #tpu.memory_space<hbm>>
        %dma_start3A_112 = arith.constant 0 : i32
        %dma_start3A_113 = arith.constant 0 : i32
        %dma_start3A_114 = tpu.memref_slice %arg6[%run_scoped3A, %dma_start3A_112, %dma_start3A_113] : memref<3x128x128xf32, #tpu.memory_space<vmem>> -> memref<1x128x128xf32, #tpu.memory_space<vmem>>
        %dma_start3A_115 = tpu.memref_squeeze %dma_start3A_114 : memref<1x128x128xf32, #tpu.memory_space<vmem>> -> memref<128x128xf32, #tpu.memory_space<vmem>>
        %dma_start3A_116 = arith.constant 0 : i32
        %dma_start3A_117 = tpu.memref_slice %arg2[%multiple_of3A, %dma_start3A_116] : memref<320000x128xf32, #tpu.memory_space<hbm>> -> memref<128x128xf32, #tpu.memory_space<hbm>>
        tpu.enqueue_dma source(%dma_start3A_117 : memref<128x128xf32, #tpu.memory_space<hbm>>) target(%dma_start3A_115 : memref<128x128xf32, #tpu.memory_space<vmem>>) target_semaphore(%run_scoped3A_105 : memref<!tpu.dma_semaphore, #tpu.memory_space<semaphore_mem>>)
        %dma_wait3A_118 = arith.constant 0 : i32
        %dma_wait3A_119 = arith.constant 0 : i32
        %dma_wait3A_120 = tpu.memref_slice %arg6[%run_scoped3A, %dma_wait3A_118, %dma_wait3A_119] : memref<3x128x128xf32, #tpu.memory_space<vmem>> -> memref<1x128x128xf32, #tpu.memory_space<vmem>>
        %dma_wait3A_121 = tpu.memref_squeeze %dma_wait3A_120 : memref<1x128x128xf32, #tpu.memory_space<vmem>> -> memref<128x128xf32, #tpu.memory_space<vmem>>
        %dma_wait3A_122 = arith.constant 0 : i32
        %dma_wait3A_123 = tpu.memref_slice %arg2[%multiple_of3A, %dma_wait3A_122] : memref<320000x128xf32, #tpu.memory_space<hbm>> -> memref<128x128xf32, #tpu.memory_space<hbm>>
        %dma_wait3A_124 = arith.constant 0 : i32
        %dma_wait3A_125 = arith.constant 0 : i32
        %dma_wait3A_126 = tpu.memref_slice %arg6[%run_scoped3A, %dma_wait3A_124, %dma_wait3A_125] : memref<3x128x128xf32, #tpu.memory_space<vmem>> -> memref<1x128x128xf32, #tpu.memory_space<vmem>>
        %dma_wait3A_127 = tpu.memref_squeeze %dma_wait3A_126 : memref<1x128x128xf32, #tpu.memory_space<vmem>> -> memref<128x128xf32, #tpu.memory_space<vmem>>
        %dma_wait3A_128 = arith.constant 0 : i32
        %dma_wait3A_129 = tpu.memref_slice %arg2[%multiple_of3A, %dma_wait3A_128] : memref<320000x128xf32, #tpu.memory_space<hbm>> -> memref<128x128xf32, #tpu.memory_space<hbm>>
        tpu.wait_dma2 semaphore(%run_scoped3A_105 : memref<!tpu.dma_semaphore, #tpu.memory_space<semaphore_mem>>) src(%dma_wait3A_129 : memref<128x128xf32, #tpu.memory_space<hbm>>) dst(%dma_wait3A_127 : memref<128x128xf32, #tpu.memory_space<vmem>>)
        tpu.yield
      }) : () -> ()
      %run_scoped3A_100 = arith.constant 78 : i32
      %run_scoped3A_101 = arith.constant 0 : i32
      "tpu.region"() ({
        %run_scoped3A_105 = tpu.sem_alloc : memref<!tpu.dma_semaphore, #tpu.memory_space<semaphore_mem>>
        %dma_start3A_106 = arith.constant 0 : i32
        %dma_start3A_107 = arith.constant 0 : i32
        %dma_start3A_108 = tpu.memref_slice %arg7[%run_scoped3A_101, %dma_start3A_106, %dma_start3A_107] : memref<3x1x128xi32, #tpu.memory_space<vmem>> -> memref<1x1x128xi32, #tpu.memory_space<vmem>>
        %dma_start3A_109 = tpu.memref_squeeze %dma_start3A_108 : memref<1x1x128xi32, #tpu.memory_space<vmem>> -> memref<1x128xi32, #tpu.memory_space<vmem>>
        %dma_start3A_110 = arith.constant 0 : i32
        %dma_start3A_111 = arith.constant 0 : i32
        %dma_start3A_112 = tpu.memref_slice %arg3[%add3A, %run_scoped3A_100, %dma_start3A_110, %dma_start3A_111] : memref<32x79x1x128xi32, #tpu.memory_space<hbm>> -> memref<1x1x1x128xi32, #tpu.memory_space<hbm>>
        %dma_start3A_113 = tpu.memref_squeeze %dma_start3A_112 : memref<1x1x1x128xi32, #tpu.memory_space<hbm>> -> memref<1x128xi32, #tpu.memory_space<hbm>>
        %dma_start3A_114 = arith.constant 0 : i32
        %dma_start3A_115 = arith.constant 0 : i32
        %dma_start3A_116 = tpu.memref_slice %arg7[%run_scoped3A_101, %dma_start3A_114, %dma_start3A_115] : memref<3x1x128xi32, #tpu.memory_space<vmem>> -> memref<1x1x128xi32, #tpu.memory_space<vmem>>
        %dma_start3A_117 = tpu.memref_squeeze %dma_start3A_116 : memref<1x1x128xi32, #tpu.memory_space<vmem>> -> memref<1x128xi32, #tpu.memory_space<vmem>>
        %dma_start3A_118 = arith.constant 0 : i32
        %dma_start3A_119 = arith.constant 0 : i32
        %dma_start3A_120 = tpu.memref_slice %arg3[%add3A, %run_scoped3A_100, %dma_start3A_118, %dma_start3A_119] : memref<32x79x1x128xi32, #tpu.memory_space<hbm>> -> memref<1x1x1x128xi32, #tpu.memory_space<hbm>>
        %dma_start3A_121 = tpu.memref_squeeze %dma_start3A_120 : memref<1x1x1x128xi32, #tpu.memory_space<hbm>> -> memref<1x128xi32, #tpu.memory_space<hbm>>
        tpu.enqueue_dma source(%dma_start3A_121 : memref<1x128xi32, #tpu.memory_space<hbm>>) target(%dma_start3A_117 : memref<1x128xi32, #tpu.memory_space<vmem>>) target_semaphore(%run_scoped3A_105 : memref<!tpu.dma_semaphore, #tpu.memory_space<semaphore_mem>>)
        %dma_wait3A_122 = arith.constant 0 : i32
        %dma_wait3A_123 = arith.constant 0 : i32
        %dma_wait3A_124 = tpu.memref_slice %arg7[%run_scoped3A_101, %dma_wait3A_122, %dma_wait3A_123] : memref<3x1x128xi32, #tpu.memory_space<vmem>> -> memref<1x1x128xi32, #tpu.memory_space<vmem>>
        %dma_wait3A_125 = tpu.memref_squeeze %dma_wait3A_124 : memref<1x1x128xi32, #tpu.memory_space<vmem>> -> memref<1x128xi32, #tpu.memory_space<vmem>>
        %dma_wait3A_126 = arith.constant 0 : i32
        %dma_wait3A_127 = arith.constant 0 : i32
        %dma_wait3A_128 = tpu.memref_slice %arg3[%add3A, %run_scoped3A_100, %dma_wait3A_126, %dma_wait3A_127] : memref<32x79x1x128xi32, #tpu.memory_space<hbm>> -> memref<1x1x1x128xi32, #tpu.memory_space<hbm>>
        %dma_wait3A_129 = tpu.memref_squeeze %dma_wait3A_128 : memref<1x1x1x128xi32, #tpu.memory_space<hbm>> -> memref<1x128xi32, #tpu.memory_space<hbm>>
        %dma_wait3A_130 = arith.constant 0 : i32
        %dma_wait3A_131 = arith.constant 0 : i32
        %dma_wait3A_132 = tpu.memref_slice %arg7[%run_scoped3A_101, %dma_wait3A_130, %dma_wait3A_131] : memref<3x1x128xi32, #tpu.memory_space<vmem>> -> memref<1x1x128xi32, #tpu.memory_space<vmem>>
        %dma_wait3A_133 = tpu.memref_squeeze %dma_wait3A_132 : memref<1x1x128xi32, #tpu.memory_space<vmem>> -> memref<1x128xi32, #tpu.memory_space<vmem>>
        %dma_wait3A_134 = arith.constant 0 : i32
        %dma_wait3A_135 = arith.constant 0 : i32
        %dma_wait3A_136 = tpu.memref_slice %arg3[%add3A, %run_scoped3A_100, %dma_wait3A_134, %dma_wait3A_135] : memref<32x79x1x128xi32, #tpu.memory_space<hbm>> -> memref<1x1x1x128xi32, #tpu.memory_space<hbm>>
        %dma_wait3A_137 = tpu.memref_squeeze %dma_wait3A_136 : memref<1x1x1x128xi32, #tpu.memory_space<hbm>> -> memref<1x128xi32, #tpu.memory_space<hbm>>
        tpu.wait_dma2 semaphore(%run_scoped3A_105 : memref<!tpu.dma_semaphore, #tpu.memory_space<semaphore_mem>>) src(%dma_wait3A_137 : memref<1x128xi32, #tpu.memory_space<hbm>>) dst(%dma_wait3A_133 : memref<1x128xi32, #tpu.memory_space<vmem>>)
        tpu.yield
      }) : () -> ()
      %run_scoped3A_102 = arith.constant 0 : i32
      %run_scoped3A_103 = arith.constant 0 : i32
      %run_scoped3A_104 = arith.constant 0 : i32
      "tpu.region"() ({
        %run_scoped3A_105 = tpu.sem_alloc : memref<!tpu.dma_semaphore, #tpu.memory_space<semaphore_mem>>
        %dma_start3A_106 = arith.constant 0 : i32
        %dma_start3A_107 = arith.constant 0 : i32
        %dma_start3A_108 = tpu.memref_slice %arg6[%run_scoped3A_102, %dma_start3A_106, %dma_start3A_107] : memref<3x128x128xf32, #tpu.memory_space<vmem>> -> memref<1x128x128xf32, #tpu.memory_space<vmem>>
        %dma_start3A_109 = tpu.memref_squeeze %dma_start3A_108 : memref<1x128x128xf32, #tpu.memory_space<vmem>> -> memref<128x128xf32, #tpu.memory_space<vmem>>
        %dma_start3A_110 = arith.constant 0 : i32
        %dma_start3A_111 = tpu.memref_slice %arg7[%run_scoped3A_103, %run_scoped3A_104, %dma_start3A_110] : memref<3x1x128xi32, #tpu.memory_space<vmem>> -> memref<1x1x128xi32, #tpu.memory_space<vmem>>
        %dma_start3A_112 = tpu.memref_squeeze %dma_start3A_111 : memref<1x1x128xi32, #tpu.memory_space<vmem>> -> memref<128xi32, #tpu.memory_space<vmem>>
        %dma_start3A_113 = arith.constant 0 : i32
        %dma_start3A_114 = arith.constant 0 : i32
        %dma_start3A_115 = tpu.memref_slice %arg8[%dma_start3A_113, %dma_start3A_114] : memref<10000x128xf32, #tpu.memory_space<vmem_shared>> -> memref<10000x128xf32, #tpu.memory_space<vmem_shared>>
        tpu.enqueue_indirect_dma source(%dma_start3A_109 : memref<128x128xf32, #tpu.memory_space<vmem>>) target(%dma_start3A_115 : memref<10000x128xf32, #tpu.memory_space<vmem_shared>>) offsets(%dma_start3A_112 : memref<128xi32, #tpu.memory_space<vmem>>) semaphore(%run_scoped3A_105 : memref<!tpu.dma_semaphore, #tpu.memory_space<semaphore_mem>>) {add = true}
        %dma_wait3A_116 = arith.constant 0 : i32
        %dma_wait3A_117 = arith.constant 0 : i32
        %dma_wait3A_118 = tpu.memref_slice %arg6[%run_scoped3A_102, %dma_wait3A_116, %dma_wait3A_117] : memref<3x128x128xf32, #tpu.memory_space<vmem>> -> memref<1x128x128xf32, #tpu.memory_space<vmem>>
        %dma_wait3A_119 = tpu.memref_squeeze %dma_wait3A_118 : memref<1x128x128xf32, #tpu.memory_space<vmem>> -> memref<128x128xf32, #tpu.memory_space<vmem>>
        %dma_wait3A_120 = arith.constant 0 : i32
        %dma_wait3A_121 = tpu.memref_slice %arg7[%run_scoped3A_103, %run_scoped3A_104, %dma_wait3A_120] : memref<3x1x128xi32, #tpu.memory_space<vmem>> -> memref<1x1x128xi32, #tpu.memory_space<vmem>>
        %dma_wait3A_122 = tpu.memref_squeeze %dma_wait3A_121 : memref<1x1x128xi32, #tpu.memory_space<vmem>> -> memref<128xi32, #tpu.memory_space<vmem>>
        %dma_wait3A_123 = arith.constant 0 : i32
        %dma_wait3A_124 = arith.constant 0 : i32
        %dma_wait3A_125 = tpu.memref_slice %arg8[%dma_wait3A_123, %dma_wait3A_124] : memref<10000x128xf32, #tpu.memory_space<vmem_shared>> -> memref<10000x128xf32, #tpu.memory_space<vmem_shared>>
        tpu.wait_indirect_dma semaphore(%run_scoped3A_105 : memref<!tpu.dma_semaphore, #tpu.memory_space<semaphore_mem>>) src(%dma_wait3A_119 : memref<128x128xf32, #tpu.memory_space<vmem>>) dst(%dma_wait3A_125 : memref<10000x128xf32, #tpu.memory_space<vmem_shared>>)
        tpu.yield
      }) : () -> ()
    } else {
    }
    %barrier3A_91 = arith.constant 0 : index
    tpu.barrier barrier_id(%barrier3A_91)
    %mul3A_92 = arith.constant 625 : i32
    %mul3A_93 = arith.muli %arg1, %mul3A_92 : i32
    "tpu.region"() ({
      %run_scoped3A = tpu.sem_alloc : memref<!tpu.dma_semaphore, #tpu.memory_space<semaphore_mem>>
      %dma_start3A_94 = arith.constant 0 : i32
      %dma_start3A_95 = arith.constant 0 : i32
      %dma_start3A_96 = tpu.memref_slice %arg5[%arg0, %arg1, %dma_start3A_94, %dma_start3A_95] : memref<2x16x625x128xf32, #tpu.memory_space<hbm>> -> memref<1x1x625x128xf32, #tpu.memory_space<hbm>>
      %dma_start3A_97 = tpu.memref_squeeze %dma_start3A_96 : memref<1x1x625x128xf32, #tpu.memory_space<hbm>> -> memref<625x128xf32, #tpu.memory_space<hbm>>
      %dma_start3A_98 = arith.constant 0 : i32
      %dma_start3A_99 = tpu.memref_slice %arg8[%mul3A_93, %dma_start3A_98] : memref<10000x128xf32, #tpu.memory_space<vmem_shared>> -> memref<625x128xf32, #tpu.memory_space<vmem_shared>>
      tpu.enqueue_dma source(%dma_start3A_99 : memref<625x128xf32, #tpu.memory_space<vmem_shared>>) target(%dma_start3A_97 : memref<625x128xf32, #tpu.memory_space<hbm>>) target_semaphore(%run_scoped3A : memref<!tpu.dma_semaphore, #tpu.memory_space<semaphore_mem>>)
      %dma_wait3A_100 = arith.constant 0 : i32
      %dma_wait3A_101 = arith.constant 0 : i32
      %dma_wait3A_102 = tpu.memref_slice %arg5[%arg0, %arg1, %dma_wait3A_100, %dma_wait3A_101] : memref<2x16x625x128xf32, #tpu.memory_space<hbm>> -> memref<1x1x625x128xf32, #tpu.memory_space<hbm>>
      %dma_wait3A_103 = tpu.memref_squeeze %dma_wait3A_102 : memref<1x1x625x128xf32, #tpu.memory_space<hbm>> -> memref<625x128xf32, #tpu.memory_space<hbm>>
      %dma_wait3A_104 = arith.constant 0 : i32
      %dma_wait3A_105 = tpu.memref_slice %arg8[%mul3A_93, %dma_wait3A_104] : memref<10000x128xf32, #tpu.memory_space<vmem_shared>> -> memref<625x128xf32, #tpu.memory_space<vmem_shared>>
      tpu.wait_dma2 semaphore(%run_scoped3A : memref<!tpu.dma_semaphore, #tpu.memory_space<semaphore_mem>>) src(%dma_wait3A_105 : memref<625x128xf32, #tpu.memory_space<vmem_shared>>) dst(%dma_wait3A_103 : memref<625x128xf32, #tpu.memory_space<hbm>>)
      tpu.yield
    }) : () -> ()
    return
  }
}

module attributes {stable_mosaic.version = 14 : i64} {
  func.func @_heads_body(%arg0: i32, %arg1: memref<2x1000x128xf32, #tpu.memory_space<vmem>>, %arg2: memref<128x64xf32, #tpu.memory_space<vmem>>, %arg3: memref<1x64xf32, #tpu.memory_space<vmem>>, %arg4: memref<64x7xf32, #tpu.memory_space<vmem>>, %arg5: memref<1x7xf32, #tpu.memory_space<vmem>>, %arg6: memref<128x64xf32, #tpu.memory_space<vmem>>, %arg7: memref<1x64xf32, #tpu.memory_space<vmem>>, %arg8: memref<64x1xf32, #tpu.memory_space<vmem>>, %arg9: memref<1x1xf32, #tpu.memory_space<vmem>>, %arg10: memref<1000x7xf32, #tpu.memory_space<vmem>>, %arg11: memref<1000x1xf32, #tpu.memory_space<vmem>>) attributes {dimension_semantics = [#tpu.dimension_semantics<arbitrary>], iteration_bounds = array<i64: 10>, scalar_prefetch = 0 : i64, scratch_operands = 0 : i64, tpu.core_type = #tpu.core_type<tc>, window_params = [{transform_indices = @transform_0, window_bounds = array<i64: 2, 1000, 128>}, {pipeline_mode = #tpu.pipeline_mode<synchronous>, transform_indices = @transform_1, window_bounds = array<i64: 128, 64>}, {pipeline_mode = #tpu.pipeline_mode<synchronous>, transform_indices = @transform_2, window_bounds = array<i64: 1, 64>}, {pipeline_mode = #tpu.pipeline_mode<synchronous>, transform_indices = @transform_3, window_bounds = array<i64: 64, 7>}, {pipeline_mode = #tpu.pipeline_mode<synchronous>, transform_indices = @transform_4, window_bounds = array<i64: 1, 7>}, {pipeline_mode = #tpu.pipeline_mode<synchronous>, transform_indices = @transform_5, window_bounds = array<i64: 128, 64>}, {pipeline_mode = #tpu.pipeline_mode<synchronous>, transform_indices = @transform_6, window_bounds = array<i64: 1, 64>}, {pipeline_mode = #tpu.pipeline_mode<synchronous>, transform_indices = @transform_7, window_bounds = array<i64: 64, 1>}, {pipeline_mode = #tpu.pipeline_mode<synchronous>, transform_indices = @transform_8, window_bounds = array<i64: 1, 1>}, {transform_indices = @transform_9, window_bounds = array<i64: 1000, 7>}, {transform_indices = @transform_10, window_bounds = array<i64: 1000, 1>}]} {
    %get3A = arith.constant 0 : index
    %get3A_0 = arith.constant 0 : index
    %get3A_1 = arith.constant 0 : index
    %get3A_2 = vector.load %arg1[%get3A, %get3A_0, %get3A_1] : memref<2x1000x128xf32, #tpu.memory_space<vmem>>, vector<1x1000x128xf32>
    %get3A_3 = vector.shape_cast %get3A_2 : vector<1x1000x128xf32> to vector<1000x128xf32>
    %get3A_4 = arith.constant 1 : index
    %get3A_5 = arith.constant 0 : index
    %get3A_6 = arith.constant 0 : index
    %get3A_7 = vector.load %arg1[%get3A_4, %get3A_5, %get3A_6] : memref<2x1000x128xf32, #tpu.memory_space<vmem>>, vector<1x1000x128xf32>
    %get3A_8 = vector.shape_cast %get3A_7 : vector<1x1000x128xf32> to vector<1000x128xf32>
    %add3A = arith.addf %get3A_3, %get3A_8 : vector<1000x128xf32>
    %get3A_9 = arith.constant 0 : index
    %get3A_10 = arith.constant 0 : index
    %get3A_11 = vector.load %arg2[%get3A_9, %get3A_10] : memref<128x64xf32, #tpu.memory_space<vmem>>, vector<128x64xf32>
    %dot_general3A = arith.constant dense<0.000000e+00> : vector<1000x64xf32>
    %dot_general3A_12 = tpu.matmul %add3A, %get3A_11, %dot_general3A {dimension_numbers = #tpu.dot_dimension_numbers<[1], [0], [0], [1], [0, 0, 1, 1], [], []>, transpose_lhs_hint = false} : vector<1000x128xf32>, vector<128x64xf32>, vector<1000x64xf32> -> vector<1000x64xf32>
    %get3A_13 = arith.constant 0 : index
    %get3A_14 = arith.constant 0 : index
    %get3A_15 = vector.load %arg3[%get3A_13, %get3A_14] : memref<1x64xf32, #tpu.memory_space<vmem>>, vector<1x64xf32>
    %add3A_16 = vector.broadcast %get3A_15 : vector<1x64xf32> to vector<1000x64xf32>
    %add3A_17 = arith.addf %dot_general3A_12, %add3A_16 : vector<1000x64xf32>
    %tanh3A = math.tanh %add3A_17 : vector<1000x64xf32>
    %get3A_18 = arith.constant 0 : index
    %get3A_19 = arith.constant 0 : index
    %get3A_20 = vector.load %arg4[%get3A_18, %get3A_19] : memref<64x7xf32, #tpu.memory_space<vmem>>, vector<64x7xf32>
    %dot_general3A_21 = arith.constant dense<0.000000e+00> : vector<1000x7xf32>
    %dot_general3A_22 = tpu.matmul %tanh3A, %get3A_20, %dot_general3A_21 {dimension_numbers = #tpu.dot_dimension_numbers<[1], [0], [0], [1], [0, 0, 1, 1], [], []>, transpose_lhs_hint = false} : vector<1000x64xf32>, vector<64x7xf32>, vector<1000x7xf32> -> vector<1000x7xf32>
    %get3A_23 = arith.constant 0 : index
    %get3A_24 = arith.constant 0 : index
    %get3A_25 = vector.load %arg5[%get3A_23, %get3A_24] : memref<1x7xf32, #tpu.memory_space<vmem>>, vector<1x7xf32>
    %add3A_26 = vector.broadcast %get3A_25 : vector<1x7xf32> to vector<1000x7xf32>
    %add3A_27 = arith.addf %dot_general3A_22, %add3A_26 : vector<1000x7xf32>
    %reduce_max3A = arith.constant dense<0xFF800000> : vector<1000xf32>
    %reduce_max3A_28 = vector.multi_reduction <maximumf>, %add3A_27, %reduce_max3A [1] : vector<1000x7xf32> to vector<1000xf32>
    %broadcast_in_dim3A = vector.shape_cast %reduce_max3A_28 : vector<1000xf32> to vector<1000x1xf32>
    %sub3A = vector.broadcast %broadcast_in_dim3A : vector<1000x1xf32> to vector<1000x7xf32>
    %sub3A_29 = arith.subf %add3A_27, %sub3A : vector<1000x7xf32>
    %exp3A = math.exp %sub3A_29 : vector<1000x7xf32>
    %reduce_sum3A = arith.constant dense<0.000000e+00> : vector<1000xf32>
    %reduce_sum3A_30 = vector.multi_reduction <add>, %exp3A, %reduce_sum3A [1] : vector<1000x7xf32> to vector<1000xf32>
    %broadcast_in_dim3A_31 = vector.shape_cast %reduce_sum3A_30 : vector<1000xf32> to vector<1000x1xf32>
    %log3A = math.log %broadcast_in_dim3A_31 : vector<1000x1xf32>
    %add3A_32 = arith.addf %log3A, %broadcast_in_dim3A : vector<1000x1xf32>
    %sub3A_33 = vector.broadcast %add3A_32 : vector<1000x1xf32> to vector<1000x7xf32>
    %sub3A_34 = arith.subf %add3A_27, %sub3A_33 : vector<1000x7xf32>
    %swap3A = arith.constant 0 : index
    %swap3A_35 = arith.constant 0 : index
    %swap3A_36 = vector.load %arg10[%swap3A, %swap3A_35] : memref<1000x7xf32, #tpu.memory_space<vmem>>, vector<1000x7xf32>
    tpu.vector_store %arg10[%swap3A, %swap3A_35], %sub3A_34 {strides = array<i32>} : memref<1000x7xf32, #tpu.memory_space<vmem>>, vector<1000x7xf32>,
    %get3A_37 = arith.constant 0 : index
    %get3A_38 = arith.constant 0 : index
    %get3A_39 = vector.load %arg6[%get3A_37, %get3A_38] : memref<128x64xf32, #tpu.memory_space<vmem>>, vector<128x64xf32>
    %dot_general3A_40 = arith.constant dense<0.000000e+00> : vector<1000x64xf32>
    %dot_general3A_41 = tpu.matmul %add3A, %get3A_39, %dot_general3A_40 {dimension_numbers = #tpu.dot_dimension_numbers<[1], [0], [0], [1], [0, 0, 1, 1], [], []>, transpose_lhs_hint = false} : vector<1000x128xf32>, vector<128x64xf32>, vector<1000x64xf32> -> vector<1000x64xf32>
    %get3A_42 = arith.constant 0 : index
    %get3A_43 = arith.constant 0 : index
    %get3A_44 = vector.load %arg7[%get3A_42, %get3A_43] : memref<1x64xf32, #tpu.memory_space<vmem>>, vector<1x64xf32>
    %add3A_45 = vector.broadcast %get3A_44 : vector<1x64xf32> to vector<1000x64xf32>
    %add3A_46 = arith.addf %dot_general3A_41, %add3A_45 : vector<1000x64xf32>
    %tanh3A_47 = math.tanh %add3A_46 : vector<1000x64xf32>
    %get3A_48 = arith.constant 0 : index
    %get3A_49 = arith.constant 0 : index
    %get3A_50 = vector.load %arg8[%get3A_48, %get3A_49] : memref<64x1xf32, #tpu.memory_space<vmem>>, vector<64x1xf32>
    %dot_general3A_51 = arith.constant dense<0.000000e+00> : vector<1000x1xf32>
    %dot_general3A_52 = tpu.matmul %tanh3A_47, %get3A_50, %dot_general3A_51 {dimension_numbers = #tpu.dot_dimension_numbers<[1], [0], [0], [1], [0, 0, 1, 1], [], []>, transpose_lhs_hint = false} : vector<1000x64xf32>, vector<64x1xf32>, vector<1000x1xf32> -> vector<1000x1xf32>
    %get3A_53 = arith.constant 0 : index
    %get3A_54 = arith.constant 0 : index
    %get3A_55 = vector.load %arg9[%get3A_53, %get3A_54] : memref<1x1xf32, #tpu.memory_space<vmem>>, vector<1x1xf32>
    %add3A_56 = vector.broadcast %get3A_55 : vector<1x1xf32> to vector<1000x1xf32>
    %add3A_57 = arith.addf %dot_general3A_52, %add3A_56 : vector<1000x1xf32>
    %swap3A_58 = arith.constant 0 : index
    %swap3A_59 = arith.constant 0 : index
    %swap3A_60 = vector.load %arg11[%swap3A_58, %swap3A_59] : memref<1000x1xf32, #tpu.memory_space<vmem>>, vector<1000x1xf32>
    tpu.vector_store %arg11[%swap3A_58, %swap3A_59], %add3A_57 {strides = array<i32>} : memref<1000x1xf32, #tpu.memory_space<vmem>>, vector<1000x1xf32>,
    return
  }
  func.func @transform_0(%arg0: i32) -> (i32, i32, i32) {
    %c0_i32 = arith.constant 0 : i32
    %c0_i32_0 = arith.constant 0 : i32
    %c0_i32_1 = arith.constant 0 : i32
    return %c0_i32, %arg0, %c0_i32_0 : i32, i32, i32
  }
  func.func @transform_1(%arg0: i32) -> (i32, i32) {
    %c0_i32 = arith.constant 0 : i32
    %c0_i32_0 = arith.constant 0 : i32
    %c0_i32_1 = arith.constant 0 : i32
    return %c0_i32, %c0_i32_0 : i32, i32
  }
  func.func @transform_2(%arg0: i32) -> (i32, i32) {
    %c0_i32 = arith.constant 0 : i32
    %c0_i32_0 = arith.constant 0 : i32
    %c0_i32_1 = arith.constant 0 : i32
    return %c0_i32, %c0_i32_0 : i32, i32
  }
  func.func @transform_3(%arg0: i32) -> (i32, i32) {
    %c0_i32 = arith.constant 0 : i32
    %c0_i32_0 = arith.constant 0 : i32
    %c0_i32_1 = arith.constant 0 : i32
    return %c0_i32, %c0_i32_0 : i32, i32
  }
  func.func @transform_4(%arg0: i32) -> (i32, i32) {
    %c0_i32 = arith.constant 0 : i32
    %c0_i32_0 = arith.constant 0 : i32
    %c0_i32_1 = arith.constant 0 : i32
    return %c0_i32, %c0_i32_0 : i32, i32
  }
  func.func @transform_5(%arg0: i32) -> (i32, i32) {
    %c0_i32 = arith.constant 0 : i32
    %c0_i32_0 = arith.constant 0 : i32
    %c0_i32_1 = arith.constant 0 : i32
    return %c0_i32, %c0_i32_0 : i32, i32
  }
  func.func @transform_6(%arg0: i32) -> (i32, i32) {
    %c0_i32 = arith.constant 0 : i32
    %c0_i32_0 = arith.constant 0 : i32
    %c0_i32_1 = arith.constant 0 : i32
    return %c0_i32, %c0_i32_0 : i32, i32
  }
  func.func @transform_7(%arg0: i32) -> (i32, i32) {
    %c0_i32 = arith.constant 0 : i32
    %c0_i32_0 = arith.constant 0 : i32
    %c0_i32_1 = arith.constant 0 : i32
    return %c0_i32, %c0_i32_0 : i32, i32
  }
  func.func @transform_8(%arg0: i32) -> (i32, i32) {
    %c0_i32 = arith.constant 0 : i32
    %c0_i32_0 = arith.constant 0 : i32
    %c0_i32_1 = arith.constant 0 : i32
    return %c0_i32, %c0_i32_0 : i32, i32
  }
  func.func @transform_9(%arg0: i32) -> (i32, i32) {
    %c0_i32 = arith.constant 0 : i32
    %c0_i32_0 = arith.constant 0 : i32
    return %arg0, %c0_i32 : i32, i32
  }
  func.func @transform_10(%arg0: i32) -> (i32, i32) {
    %c0_i32 = arith.constant 0 : i32
    %c0_i32_0 = arith.constant 0 : i32
    return %arg0, %c0_i32 : i32, i32
  }
}

</mosaic_0001>

<sc_bundles>
// kernel: kernel.4.cloned.1.call-start
scs
__scs_entry_jumppad:
0x0: {  	(pc) =	sbr.rel $0x88, $3  }
0x1: {  	(tag) =	ssettag $0x0;
	lr =	simm.s32 $0x1  }
0x2: {  	[smem:$0x3F97] =	sst lr;
	_ =	strace $0xD0000000  }
0x3: {  	_ = 	snop  }
0x4: {  	_ = 	snop  }
0x5: {  	_ = 	snop  }
0x6: {  	_ = 	snop  }
0x7: {  	_ = 	snop  }
__scs_overlays_trampoline_lowered:
0x8: {  	[smem:$0x3FA6] =	sst s0  }
0x9: {  	[smem:$0x3FA7] =	sst s1  }
0xa: {  	[smem:$0x3FA8] =	sst s2  }
0xb: {  	[smem:$0x3FA9] =	sst s3  }
0xc: {  	[smem:$0x3FAA] =	sst s4  }
0xd: {  	[smem:$0x3FAB] =	sst s5  }
0xe: {  	[smem:$0x3FAC] =	sst s6  }
0xf: {  	[smem:$0x3FAD] =	sst s7  }
0x10: {  	[smem:$0x3FAE] =	sst s8  }
0x11: {  	[smem:$0x3FAF] =	sst s9;
	s0 =	simm.s32 @!p0 $0x0  }
0x12: {  	s1 =	sld [smem:$0x3F95];
	s0 =	simm.s32 @p0 $0x1  }
0x13: {  	[smem:$0x3FB0] =	sst s0;
	s0 =	simm.s32 @!p1 $0x0  }
0x14: {  	s2 =	sld [smem:$0x3F94];
	s0 =	simm.s32 @p1 $0x1  }
0x15: {  	[smem:$0x3FB1] =	sst s0;
	s0 =	simm.s32 @!p2 $0x0  }
0x16: {  	s3 =	sld [smem:$0x3FDB];
	s0 =	simm.s32 @p2 $0x1  }
0x17: {  	s4 =	simm.s32 $0x1BF5;
	[smem:$0x3FB3] =	sst s0  }
0x18: {  	s0 =	sld [smem:$0x3F96];
	_ =	swait.ge [sflag:s4], $0x0  }
0x19: {  	s7 =	sld [smem:$0x3F97]  }
0x1a: {  	s8 =	sadd.s32 $0xFFFFE003, lr  }
0x1b: {  	s9 =	sadd.s32 $0xFFFFFEF7, lr;
	s5 =	simm.s32 $0xFFFFFFFF;
	p2 =	slt.u32 s8, $0xFFFFF086  }
0x1c: {  	p1 =	slt.u32 s9, $0xF7A;
	s5 =	simm.s32 @!p2 $0x0  }
0x1d: {  	s5 =	simm.s32 @p1 $0x1;
	p0 =	seq.s32 s7, s2  }
0x1e: {  	s7 =	smul.u32 @!p0 $0xF7A, s2;
	p2 =	seq.s32 @!p0 s5, $0x0  }
0x1f: {  	s9 =	smul.u32 $0xF7A, s1;
	s8 =	simm.s32 @!p0 $0x1BF5;
	p2 =	por !p2, p0  }
0x20: {  	[sflag:s8] =	ssyncset.s32 @!p0 $0xFFFFF086;
	s6 =	sadd.s32 @!p0 s3, s7;
	s7 =	simm.s32 @!p0 $0x108  }
0x21: {  	s3 =	sadd.s32 s3, s9;
	s6 =	sadd.s32 @!p0 $0x88, s6;
	s7 =	simm.s32 @p2 $0x1082  }
0x22: {  	[simem:s7], [sflag:s8] =	dma.local @!p0 [hbm:s6], $0xF7A  }
0x23: {  	s9 =	sor.u32 $0xD0000000, s2;
	s6 =	simm.s32 $0x108;
	_ =	swait.ge @!p0 [sflag:s8], $0x0  }
0x24: {  	s3 =	sadd.s32 $0x88, s3;
	s6 =	simm.s32 @!p1 $0x1082;
	[sflag:s4] =	ssyncset.s32 $0xFFFFF086  }
0x25: {  	[simem:s6], [sflag:s4] =	dma.local [hbm:s3], $0xF7A  }
0x26: {  	[smem:$0x3F97] =	sst s1;
	(tag) =	ssettag s2;
	_ =	strace s9  }
0x27: {  	s1 =	sld [smem:$0x3FA7]  }
0x28: {  	s2 =	sld [smem:$0x3FA8]  }
0x29: {  	s4 =	sld [smem:$0x3FAA]  }
0x2a: {  	p0 =	seq.s32 s5, $0x0;
	s5 =	sld [smem:$0x3FAB]  }
0x2b: {  	s6 =	sld [smem:$0x3FAC]  }
0x2c: {  	s7 =	sld [smem:$0x3FAD]  }
0x2d: {  	s3 =	simm.s32 $0x108;
	s8 =	sld [smem:$0x3FAE]  }
0x2e: {  	s3 =	simm.s32 @!p0 $0x1082;
	s9 =	sld [smem:$0x3FAF]  }
0x2f: {  	lr =	sadd.s32 s0, s3;
	s0 =	sld [smem:$0x3FA6]  }
0x30: {  	s3 =	sld [smem:$0x3FA9]  }
0x31: {  	[smem:$0x3FB2] =	sst s10  }
0x32: {  	s10 =	sld [smem:$0x3FB0];
	_ =	sdelay $0x3  }
0x33: {  	p0 =	seq.s32 s10, $0x1;
	s10 =	sld [smem:$0x3FB2];
	_ =	sdelay $0x3  }
0x34: {  	[smem:$0x3FB2] =	sst s10  }
0x35: {  	s10 =	sld [smem:$0x3FB1];
	_ =	sdelay $0x3  }
0x36: {  	p1 =	seq.s32 s10, $0x1;
	s10 =	sld [smem:$0x3FB2];
	_ =	sdelay $0x3  }
0x37: {  	[smem:$0x3FB2] =	sst s10  }
0x38: {  	s10 =	sld [smem:$0x3FB3]  }
0x39: {  	_ = 	snop;
	(pc) =	sbr.ind lr, $3  }
0x3a: {  	_ = 	snop  }
0x3b: {  	_ = 	snop  }
0x3c: {  	p2 =	seq.s32 s10, $0x1;
	s10 =	sld [smem:$0x3FB2]  }
0x3d: {  	_ =	shalt  }
0x3e: {  	_ =	shalt  }
0x3f: {  	_ =	shalt  }
0x40: {  	_ =	shalt  }
0x41: {  	_ =	shalt  }
0x42: {  	_ =	shalt  }
0x43: {  	_ =	shalt  }
0x44: {  	_ =	shalt  }
0x45: {  	_ =	shalt  }
0x46: {  	_ =	shalt  }
0x47: {  	_ =	shalt  }
0x48: {  	_ =	shalt  }
0x49: {  	_ =	shalt  }
0x4a: {  	_ =	shalt  }
0x4b: {  	_ =	shalt  }
0x4c: {  	_ =	shalt  }
0x4d: {  	_ =	shalt  }
0x4e: {  	_ =	shalt  }
0x4f: {  	_ =	shalt  }
0x50: {  	_ =	shalt  }
0x51: {  	_ =	shalt  }
0x52: {  	_ =	shalt  }
0x53: {  	_ =	shalt  }
0x54: {  	_ =	shalt  }
0x55: {  	_ =	shalt  }
0x56: {  	_ =	shalt  }
0x57: {  	_ =	shalt  }
0x58: {  	_ =	shalt  }
0x59: {  	_ =	shalt  }
0x5a: {  	_ =	shalt  }
0x5b: {  	_ =	shalt  }
0x5c: {  	_ =	shalt  }
0x5d: {  	_ =	shalt  }
0x5e: {  	_ =	shalt  }
0x5f: {  	_ =	shalt  }
0x60: {  	_ =	shalt  }
0x61: {  	_ =	shalt  }
0x62: {  	_ =	shalt  }
0x63: {  	_ =	shalt  }
0x64: {  	_ =	shalt  }
0x65: {  	_ =	shalt  }
0x66: {  	_ =	shalt  }
0x67: {  	_ =	shalt  }
0x68: {  	_ =	shalt  }
0x69: {  	_ =	shalt  }
0x6a: {  	_ =	shalt  }
0x6b: {  	_ =	shalt  }
0x6c: {  	_ =	shalt  }
0x6d: {  	_ =	shalt  }
0x6e: {  	_ =	shalt  }
0x6f: {  	_ =	shalt  }
0x70: {  	_ =	shalt  }
0x71: {  	_ =	shalt  }
0x72: {  	_ =	shalt  }
0x73: {  	_ =	shalt  }
0x74: {  	_ =	shalt  }
0x75: {  	_ =	shalt  }
0x76: {  	_ =	shalt  }
0x77: {  	_ =	shalt  }
0x78: {  	_ =	shalt  }
0x79: {  	_ =	shalt  }
0x7a: {  	_ =	shalt  }
0x7b: {  	_ =	shalt  }
0x7c: {  	_ =	shalt  }
0x7d: {  	_ =	shalt  }
0x7e: {  	_ =	shalt  }
0x7f: {  	_ =	shalt  }
0x80: {  	_ =	shalt  }
0x81: {  	_ =	shalt  }
0x82: {  	_ =	shalt  }
0x83: {  	_ =	shalt  }
0x84: {  	_ =	shalt  }
0x85: {  	_ =	shalt  }
0x86: {  	_ =	shalt  }
0x87: {  	_ =	shalt  }
.Lfunc_end0:
.L_simem_size_0:
called_computation_lowered:
.L_overlay_start_0:
0x88: {  	s2 =	sld [smem:$0x3FD9]  }
0x89: {  	s3 =	sld [smem:$0x3FFE];
	_ =	sdelay $0x1  }
0x8a: {  	s1 =	srdreg.scid  }
0x8b: {  	s0 =	sand.u32 $0x1, s1  }
0x8c: {  	s14 =	sshll.u32 s0, $0xA;
	s2 =	sadd.s32 s3, s2  }
0x8d: {  	s2 =	sadd.s32 s2, s14  }
0x8e: {  	[smem:$0x3FBE] =	sst s2  }
0x8f: {  	_ = 	snop  }
0x90: {  	s2 =	sld [smem:$0x3FD0];
	_ =	sdelay $0x2  }
0x91: {  	s4 =	simm.s32 $0xA;
	s5 =	simm.s32 $0x10;
	s15 =	sld [smem:$0x3FC9]  }
0x92: {  	[smem:s5], [sflag:s4] =	dma.local [hbm:s2], $0x1  }
0x93: {  	_ =	swait.eq [sflag:s4], $0x1  }
0x94: {  	[sflag:s4] =	ssyncset.done $0x0  }
0x95: {  	[sflag:s4] =	ssyncadd.s32 $0xFFFFFFFF  }
0x96: {  	s16 =	sld [smem:$0x10];
	(tm) =	ssettm $0x1  }
0x97: {  	s17 =	sld [smem:$0x3FFB];
	_ =	sdelay $0x3  }
0x98: {  	_ =	strace s17  }
0x99: {  	s4 =	sld [smem:$0x3FFC];
	_ =	sdelay $0x3  }
0x9a: {  	_ =	strace s4  }
0x9b: {  	s4 =	sld [smem:$0x3FFD];
	_ =	sdelay $0x3  }
0x9c: {  	_ =	strace s4  }
0x9d: {  	_ =	strace $0x8FFFFFFF  }
0x9e: {  	s18 =	sld [smem:$0x3FDB];
	_ =	sdelay $0x1  }
0x9f: {  	s19 =	simm.s32 $_scs_section_size  }
0xa0: {  	s6 =	simm.s32 $_size__tile_overlayer_lowered;
	s7 =	simm.s32 $_tile_overlayer_lowered  }
0xa1: {  	s22 =	simm.s32 $0x1BFF;
	s21 =	sshll.u32 s7, $0x1;
	s4 =	sadd.s32 s19, s18  }
0xa2: {  	s8 =	simm.s32 $0x0;
	s20 =	sshll.u32 s6, $0x1;
	s6 =	sadd.s32 s21, s4  }
0xa3: {  	[timem:s8], [sflag:s22] =	dma.local [hbm:s6], s20  }
0xa4: {  	_ =	swait.ge [sflag:s22], s20  }
0xa5: {  	s5 =	ssub.s32 $0x0, s20;
	[sflag:s22] =	ssyncset.done $0x0  }
0xa6: {  	[sflag:s22] =	ssyncadd.s32 s5;
	_ =	sdelay $0x1  }
0xa7: {  	s23 =	simm.s32 $0x1B8B  }
0xa8: {  	_ =	swait.ge [sflag:s23], $0x1  }
0xa9: {  	[sflag:s23] =	ssyncset.done $0x0  }
0xaa: {  	s25 =	simm.s32 $0x1B8E;
	s24 =	sld [smem:$0x3FFE];
	[sflag:s23] =	ssyncadd.s32 $0xFFFFFFFF  }
0xab: {  	s26 =	simm.s32 $execute0_lowered;
	[smem:$0x3FD2] =	sst s25  }
0xac: {  	s6 =	sshll.u32 s26, $0x1;
	_ =	strace $0x80000046;
	[dreg:$0x1] =	wrdreg $0xFFFFFFFF  }
0xad: {  	s28 =	simm.s32 $_size_execute0_lowered;
	s4 =	sadd.s32 s4, s6;
	[dreg:$0x0] =	wrdreg $0x0  }
0xae: {  	s6 =	sshll.u32 s28, $0x1;
	[dreg:$0x2] =	wrdreg s4  }
0xaf: {  	[dreg:$0x3] =	wrdreg s6  }
0xb0: {  	[dreg:$0x4] =	wrdreg $0xC0  }
0xb1: {  	_ =	task [dreg:s8], $0x5FFFF  }
0xb2: {  	[dreg:$0x1] =	wrdreg $0xFFFFFFFF  }
0xb3: {  	[dreg:$0x0] =	wrdreg $0x60  }
0xb4: {  	[dreg:$0x2] =	wrdreg s15  }
0xb5: {  	[dreg:$0x3] =	wrdreg s24  }
0xb6: {  	[dreg:$0x4] =	wrdreg s16  }
0xb7: {  	[dreg:$0x5] =	wrdreg $0xC1800  }
0xb8: {  	[dreg:$0x6] =	wrdreg $0x9  }
0xb9: {  	_ =	task.clear_ibuf [dreg:s8], $0x7FFFF;
	_ =	strace $0x90000046  }
0xba: {  	s29 =	simm.s32 $0x9;
	_ =	strace $0x80000048  }
0xbb: {  	_ =	swait.ge [sflag:s29], $0x1  }
0xbc: {  	[sflag:s29] =	ssyncadd.s32 $0xFFFFFFFF  }
0xbd: {  	_ =	strace $0x90000048  }
0xbe: {  	_ =	sfence  }
0xbf: {  	s30 =	sld [smem:$0x0];
	_ =	sdelay $0x2  }
0xc0: {  	s31 =	sshll.u32 s1, $0xD;
	s1 =	sshrl.u32 s1, $0x2  }
0xc1: {  	s3 =	sand.u32 $0x4000, s31;
	s1 =	sadd.s32 s1, s30  }
0xc2: {  	s0 =	sor.u32 s3, s0;
	s1 =	sshll.u32 s1, $0x11  }
0xc3: {  	s0 =	sor.u32 s1, s0  }
0xc4: {  	s0 =	sadd.s32 $0x8F2B, s0  }
0xc5: {  	[sflag:s0] =	ssyncadd.remote.s32 $0x1  }
0xc6: {  	_ =	sfence.sel $0xFFFF  }
0xc7: {  	[dreg:$0x0] =	wrdreg $0xFFFFFFFF;
	(pc) =	sbr.abs _section_cstart, $3  }
0xc8: {  	[dreg:$0x1] =	wrdreg $0xFFFFFFFF  }
0xc9: {  	_ =	task.clear_ibuf [dreg:s8], $0x2FFFF;
	_ =	strace $0x9FFFFFFF  }
0xca: {  	(tm) =	ssettm $0x7FFFFFFF  }
0xcb: {  	_ =	shalt  }
tec
execute0_lowered:
.L_overlay_start_1:
0x0: {  	(tag) =	ssettag $0x1  }
0x1: {  	s0 =	rddreg [dreg:$0x0]  }
0x2: {  	s1 =	rddreg [dreg:$0x1]  }
0x3: {  	s2 =	rddreg [dreg:$0x3]  }
0x4: {  	s3 =	srdreg.scid;
	s4 =	simm.s32 $0x0;
	s13 =	stileid.u32  }
0x5: {  	s28 =	simm.s32 $0x8000;
	s29 =	simm.s32 $0xC100;
	s7 =	smul.u32 $0x13C00, s13  }
0x6: {  	s30 =	simm.s32 $0x2;
	s31 =	simm.s32 $0x5;
	s8 =	smul.u32 $0x4E200, s13  }
0x7: {  	s3 =	sand.u32 $0x1, s3;
	[smem:$0x7FF] =	sst s4;
	s19 =	smul.u32 $0x2780, s13  }
0x8: {  	s5 =	sadd.s32 $0x1A00, s1;
	s15 =	sshll.u32 s13, $0x6;
	s24 =	smul.u32 $0x27000, s13  }
0x9: {  	s17 =	sshll.u32 s13, $0xB;
	s6 =	smul.u32 $0x13C000, s3;
	_ =	strace $0x80000047  }
0xa: {  	s12 =	sshll.u32 s3, $0x4;
	s14 =	ssub.s32 $0x2, s3;
	s18 =	smul.u32 $0x27800, s3  }
0xb: {  	s3 =	smul.u32 $0x270000, s3;
	s10 =	sshrl.u32 s14, $0x1;
	s8 =	sshrl.u32 s8, $0x2  }
0xc: {  	s6 =	sadd.s32 s7, s6;
	s7 =	sor.u32 s13, s12;
	s10 =	ssub.s32 s14, s10  }
0xd: {  	s8 =	sadd.s32 s8, s2;
	s21 =	sadd.s32 s19, s18;
	s9 =	smul.u32 $0x27000, s7  }
0xe: {  	s6 =	sshrl.u32 s6, $0x3;
	s11 =	smul.u32 $0x2780, s7;
	s22 =	smax.u32 s10, $0x1  }
0xf: {  	s23 =	sadd.s32 $0x180, s21;
	s25 =	sadd.s32 $0x200, s21;
	s19 =	sshrl.u32 s8, $0x3  }
0x10: {  	p0 =	sgt.u32 s7, $0x3;
	s7 =	simm.s32 $0x9;
	s10 =	simm.s32 $0x0  }
0x11: {  	s1 =	sadd.s32 s6, s1;
	s6 =	sor.u32 $0x1C0A, s15;
	[dreg:$0xc] =	wrdreg s22  }
0x12: {  	[dreg:$0xd] =	wrdreg s23;
	s26 =	sshrl.u32 s25, $0x3;
	s22 =	simm.s32 $0x4000  }
0x13: {  	s23 =	simm.s32 $0xC080;
	s25 =	simm.s32 $0x4;
	s12 =	sadd.s32 s0, s9  }
0x14: {  	s16 =	sshrl.u32 s11, $0x3;
	s9 =	sadd.s32 s17, s0;
	s1 =	sadd.s32 $0xB800, s1  }
0x15: {  	s0 =	sadd.s32 s3, s0;
	s3 =	simm.s32 $0x3;
	s14 =	sadd.s32 s5, s16  }
0x16: {  	[dreg:$0x5] =	wrdreg s12;
	s12 =	sadd.s32 $0x800, s12;
	s9 =	sadd.s32 $0x4E0000, s9  }
0x17: {  	[dreg:$0xb] =	wrdreg s1;
	s1 =	sadd.s32 $0x100, s21;
	s16 =	sadd.s32 s24, s0  }
0x18: {  	s21 =	simm.s32 $0xC000;
	s24 =	simm.s32 $0x1;
	[dreg:$0x7] =	wrdreg s12  }
.Ltmp0:
0x19: {  	s0 =	simm.s32 $0x7;
	[dreg:$0x9] =	wrdreg s9;
	(pc) =	sbr.rel .LBB2_1-.Ltmp0, $4  }
0x1a: {  	s15 =	sadd.s32 $0x10, s14;
	[dreg:$0x6] =	wrdreg s14;
	s20 =	sadd.s32 $0x4E0, s14  }
0x1b: {  	s1 =	sshrl.u32 s1, $0x3;
	s12 =	sadd.s32 s26, s5;
	[dreg:$0x8] =	wrdreg s15  }
0x1c: {  	s26 =	simm.s32 $0x80;
	s9 =	simm.s32 $0x8;
	[dreg:$0xa] =	wrdreg s20  }
0x1d: {  	s11 =	sadd.s32 s1, s5;
	s20 =	simm.s32 $0xA;
	s1 =	simm.s32 $0x6  }
.LBB2_4:
0x1e: {  	_ =	swait.ge [sflag:s3], $0x4000  }
0x1f: {  	[sflag:s3] =	ssyncset.done $0x0  }
0x20: {  	[sflag:s3] =	ssyncadd.s32 $0xFFFFC000  }
0x21: {  	_ =	swait.ge [sflag:s1], $0x80  }
0x22: {  	[sflag:s1] =	ssyncset.done $0x0  }
0x23: {  	[sflag:s1] =	ssyncadd.s32 $0xFFFFFF80  }
0x24: {  	[spmem:s2] =	stream.indirect.scatter.add.f32 [tilespmem:s28], [sflag:$0x9], $0x80, s29, s26, $0xb8;
	[tilespmem:$0x1FA00] =	vst v63  }
0x25: {  	_ =	swait.ge [sflag:s9], $0x4000  }
0x26: {  	[sflag:s9] =	ssyncset.done $0x0  }
0x27: {  	[sflag:s9] =	ssyncadd.s32 $0xFFFFC000  }
0x28: {  	_ =	swait.ge [sflag:s7], $0x4000  }
0x29: {  	[sflag:s7] =	ssyncset.done $0x0  }
0x2a: {  	s8 =	simm.s32 @!p0 $0x0;
	s13 =	rddreg [dreg:$0x9];
	[sflag:s7] =	ssyncadd.s32 $0xFFFFC000  }
0x2b: {  	[tilespmem:s8], [sflag:$0xA] =	stream.linear.gather @!p0 [hbm4b:s13+s8], $0x4000, $0x38;
	[tilespmem:$0x1FA00] =	vst v63  }
0x2c: {  	s13 =	simm.s32 @!p0 $0xA  }
0x2d: {  	_ =	swait.ge @!p0 [sflag:s13], $0x4000  }
0x2e: {  	[sflag:s13] =	ssyncset.done @!p0 $0x0  }
0x2f: {  	s14 =	simm.s32 @!p0 $0xC000;
	s15 =	rddreg [dreg:$0xa];
	[sflag:s13] =	ssyncadd.s32 @!p0 $0xFFFFC000  }
0x30: {  	[tilespmem:s14], [sflag:$0xA] =	stream.linear.gather @!p0 [hbm4b:s15+s8], $0x80, $0x38;
	[tilespmem:$0x1FA00] =	vst v63  }
0x31: {  	_ =	swait.ge @!p0 [sflag:s13], $0x80  }
0x32: {  	[sflag:s13] =	ssyncset.done @!p0 $0x0  }
0x33: {  	s15 =	simm.s32 @!p0 $0x80;
	[sflag:s13] =	ssyncadd.s32 @!p0 $0xFFFFFF80  }
0x34: {  	[spmem:s2] =	stream.indirect.scatter.add.f32 @!p0 [tilespmem:s8], [sflag:$0xA], $0x80, s14, s15, $0xb8;
	[tilespmem:$0x1FA00] =	vst v63  }
0x35: {  	_ =	swait.ge @!p0 [sflag:s13], $0x4000  }
0x36: {  	[sflag:s13] =	ssyncset.done @!p0 $0x0  }
0x37: {  	[sflag:s13] =	ssyncadd.s32 @!p0 $0xFFFFC000  }
0x38: {  	[bflag:$0x0] =	sbarrier.arrive $0xFFFF  }
0x39: {  	s17 =	rddreg [dreg:$0xb]  }
0x3a: {  	[hbm:s17], [sflag:s6] =	dma.local [spmem:s19], $0x2710  }
0x3b: {  	_ =	swait.ge [sflag:s20], $0x2710  }
0x3c: {  	s10 =	sadd.s32 $0x1, s10;
	s18 =	rddreg [dreg:$0xc]  }
0x3d: {  	p1 =	sne.s32 s10, s18  }
.Ltmp1:
0x3e: {  	_ = 	snop;
	(pc) =	sbr.rel @!p1 .LBB2_5-.Ltmp1, $3  }
0x3f: {  	_ =	sdelay $0x1  }
0x40: {  	[sflag:s20] =	ssyncset.done $0x0  }
0x41: {  	[sflag:s20] =	ssyncadd.s32 $0xFFFFD8F0  }
.LBB2_1:
0x42: {  	s8 =	rddreg [dreg:$0x2]  }
0x43: {  	[spmem:s19], [sflag:s6] =	dma.local [hbm:s8], $0x2710  }
0x44: {  	_ =	swait.ge [sflag:s20], $0x2710  }
0x45: {  	[sflag:s20] =	ssyncset.done $0x0  }
0x46: {  	[sflag:s20] =	ssyncadd.s32 $0xFFFFD8F0  }
0x47: {  	[bflag:$0x0] =	sbarrier.arrive $0xFFFF  }
0x48: {  	s14 =	rddreg [dreg:$0x5]  }
0x49: {  	[tilespmem:s4], [sflag:$0x1] =	stream.linear.gather [hbm4b:s14+s4], $0x4000, $0x38;
	[tilespmem:$0x1FA00] =	vst v63  }
0x4a: {  	s15 =	rddreg [dreg:$0x6]  }
0x4b: {  	[tilespmem:s21], [sflag:$0x4] =	stream.linear.gather [hbm4b:s15+s4], $0x80, $0x38;
	[tilespmem:$0x1FA00] =	vst v63  }
0x4c: {  	s17 =	rddreg [dreg:$0x7]  }
0x4d: {  	[tilespmem:s22], [sflag:$0x2] =	stream.linear.gather [hbm4b:s17+s4], $0x4000, $0x38;
	[tilespmem:$0x1FA00] =	vst v63  }
0x4e: {  	s8 =	simm.s32 $0x0;
	s18 =	rddreg [dreg:$0x8]  }
0x4f: {  	[tilespmem:s23], [sflag:$0x5] =	stream.linear.gather [hbm4b:s18+s4], $0x80, $0x38;
	[tilespmem:$0x1FA00] =	vst v63  }
0x50: {  	s15 =	rddreg [dreg:$0xd];
	s17 =	smov.u32 s12;
	s18 =	smov.u32 s11  }
.LBB2_2:
0x51: {  	_ =	swait.ge [sflag:s24], $0x4000  }
0x52: {  	[sflag:s24] =	ssyncset.done $0x0  }
0x53: {  	[sflag:s24] =	ssyncadd.s32 $0xFFFFC000  }
0x54: {  	_ =	swait.ge [sflag:s25], $0x80  }
0x55: {  	p1 =	seq.s32 s8, $0x0;
	[sflag:s25] =	ssyncset.done $0x0  }
0x56: {  	s13 =	simm.s32 @!p1 $0x9;
	[sflag:s25] =	ssyncadd.s32 $0xFFFFFF80  }
0x57: {  	[spmem:s2] =	stream.indirect.scatter.add.f32 [tilespmem:s4], [sflag:$0x7], $0x80, s21, s26, $0xb8;
	[tilespmem:$0x1FA00] =	vst v63  }
0x58: {  	_ =	swait.ge @!p1 [sflag:s13], $0x4000  }
0x59: {  	s14 =	sadd.s32 s8, s16;
	[sflag:s13] =	ssyncset.done @!p1 $0x0  }
0x5a: {  	[sflag:s13] =	ssyncadd.s32 @!p1 $0xFFFFC000;
	s13 =	sadd.s32 $0x1000, s14  }
0x5b: {  	[tilespmem:s28], [sflag:$0x3] =	stream.linear.gather [hbm4b:s13+s4], $0x4000, $0x38;
	[tilespmem:$0x1FA00] =	vst v63  }
0x5c: {  	_ = 	snop  }
0x5d: {  	[tilespmem:s29], [sflag:$0x6] =	stream.linear.gather [hbm4b:s18+s4], $0x80, $0x38;
	[tilespmem:$0x1FA00] =	vst v63  }
0x5e: {  	_ =	swait.ge [sflag:s30], $0x4000  }
0x5f: {  	[sflag:s30] =	ssyncset.done $0x0  }
0x60: {  	[sflag:s30] =	ssyncadd.s32 $0xFFFFC000  }
0x61: {  	_ =	swait.ge [sflag:s31], $0x80  }
0x62: {  	p1 =	seq.s32 s8, $0x25800;
	[sflag:s31] =	ssyncset.done $0x0  }
.Ltmp2:
0x63: {  	[sflag:s31] =	ssyncadd.s32 $0xFFFFFF80;
	(pc) =	sbr.rel @p1 .LBB2_4-.Ltmp2, $4  }
0x64: {  	[spmem:s2] =	stream.indirect.scatter.add.f32 [tilespmem:s22], [sflag:$0x8], $0x80, s23, s26, $0xb8;
	[tilespmem:$0x1FA00] =	vst v63  }
0x65: {  	_ =	swait.ge [sflag:s0], $0x4000  }
0x66: {  	[sflag:s0] =	ssyncset.done $0x0  }
0x67: {  	[sflag:s0] =	ssyncadd.s32 $0xFFFFC000  }
0x68: {  	s13 =	sadd.s32 $0x1800, s14  }
0x69: {  	[tilespmem:s4], [sflag:$0x1] =	stream.linear.gather [hbm4b:s13+s4], $0x4000, $0x38;
	[tilespmem:$0x1FA00] =	vst v63  }
0x6a: {  	s13 =	sshrl.u32 s15, $0x3  }
0x6b: {  	s13 =	sadd.s32 s5, s13  }
0x6c: {  	[tilespmem:s21], [sflag:$0x4] =	stream.linear.gather [hbm4b:s13+s4], $0x80, $0x38;
	[tilespmem:$0x1FA00] =	vst v63  }
0x6d: {  	_ =	swait.ge [sflag:s3], $0x4000  }
0x6e: {  	[sflag:s3] =	ssyncset.done $0x0  }
0x6f: {  	[sflag:s3] =	ssyncadd.s32 $0xFFFFC000  }
0x70: {  	_ =	swait.ge [sflag:s1], $0x80  }
0x71: {  	[sflag:s1] =	ssyncset.done $0x0  }
0x72: {  	[sflag:s1] =	ssyncadd.s32 $0xFFFFFF80  }
0x73: {  	[spmem:s2] =	stream.indirect.scatter.add.f32 [tilespmem:s28], [sflag:$0x9], $0x80, s29, s26, $0xb8;
	[tilespmem:$0x1FA00] =	vst v63  }
0x74: {  	_ =	swait.ge [sflag:s9], $0x4000  }
0x75: {  	[sflag:s9] =	ssyncset.done $0x0  }
.Ltmp3:
0x76: {  	s14 =	sadd.s32 $0x2000, s14;
	[sflag:s9] =	ssyncadd.s32 $0xFFFFC000;
	(pc) =	sbr.rel .LBB2_2-.Ltmp3, $4  }
0x77: {  	[tilespmem:s22], [sflag:$0x2] =	stream.linear.gather [hbm4b:s14+s4], $0x4000, $0x38;
	[tilespmem:$0x1FA00] =	vst v63  }
0x78: {  	s8 =	sadd.s32 $0x1800, s8  }
0x79: {  	[tilespmem:s23], [sflag:$0x5] =	stream.linear.gather [hbm4b:s17+s4], $0x80, $0x38;
	[tilespmem:$0x1FA00] =	vst v63  }
0x7a: {  	s18 =	sadd.s32 $0x30, s18;
	s15 =	sadd.s32 $0x180, s15;
	s17 =	sadd.s32 $0x30, s17  }
.LBB2_5:
0x7b: {  	_ =	sfence.sel $0x180000  }
0x7c: {  	[bflag:$0x0] =	sbarrier.arrive $0xFFFF  }
0x7d: {  	_ =	strace $0x90000047  }
0x7e: {  	s0 =	stileid.u32;
	[bflag:$0x2] =	sbarrier.arrive $0xFFFF  }
0x7f: {  	p0 =	sne.s32 s0, $0x0;
	s0 =	rddreg [dreg:$0x4]  }
0x80: {  	s0 =	sadd.s32 @!p0 $0x100000, s0  }
0x81: {  	[sflag:s0] =	ssyncadd.tile.s32 @!p0 $0x1;
	_ =	shalt  }
.Lfunc_end2:
_tile_overlayer_lowered:
.L_overlay_start_2:
0x82: {  	(tag) =	ssettag $0x2  }
0x83: {  	s0 =	rddreg [dreg:$0x0];
	s2 =	stileid.u32  }
0x84: {  	s1 =	rddreg [dreg:$0x1];
	p0 =	sne.s32 s2, $0x0  }
0x85: {  	s3 =	rddreg [dreg:$0x2];
	[bflag:$0x3] =	sbarrier.arrive $0xFFFF;
	s2 =	simm.s32 @!p0 $0x1C0A  }
0x86: {  	[timem:s3], [sflag:s2] =	dma.local @!p0 [hbm:s0], s1  }
0x87: {  	s0 =	simm.s32 @!p0 $0xA  }
0x88: {  	_ =	swait.ge @!p0 [sflag:s0], s1  }
0x89: {  	s1 =	ssub.s32 @!p0 $0x0, s1;
	[sflag:s0] =	ssyncset.done @!p0 $0x0  }
0x8a: {  	[sflag:s0] =	ssyncadd.s32 @!p0 s1  }
0x8b: {  	[bflag:$0x3] =	sbarrier.arrive $0xFFFF  }
0x8c: {  	_ =	shalt  }

</sc_bundles>
